<compile_context>
chip_gen: v7x
topology: tpu7x:2x2x1
jax: 0.10.2.dev20260603
libtpu: 0.0.44.dev20260713+nightly
codegen_flags: <defaults>
</compile_context>

<pallas_src>
import functools

import jax
import jax.numpy as jnp
from jax import lax
from jax.experimental import pallas as pl
from jax.experimental.pallas import tpu as pltpu
from jax.experimental.pallas import tpu_sc as plsc

_B = 16384
_D = 32
_EPS = 1e-5
_CHUNK = 128


def _sc_gather(table, idx):
    info = plsc.get_sparse_core_info()
    nc, ns = info.num_cores, info.num_subcores
    nw = nc * ns
    bpw = _B // nw
    nchunk = bpw // _CHUNK
    rpw = bpw * _D // 128
    mesh = plsc.VectorSubcoreMesh(core_axis_name="c", subcore_axis_name="s")

    @functools.partial(
        pl.kernel,
        mesh=mesh,
        out_type=jax.ShapeDtypeStruct((_B * _D // 128, 128), jnp.float32),
        scratch_types=[
            pltpu.VMEM((nchunk, _CHUNK), jnp.int32),
            pltpu.VMEM((bpw, _D), jnp.float32),
            pltpu.VMEM((bpw * _D // 128, 128), jnp.float32),
            pltpu.SemaphoreType.DMA,
            pltpu.SemaphoreType.DMA,
            pltpu.SemaphoreType.DMA,
        ],
        compiler_params=pltpu.CompilerParams(
            needs_layout_passes=False, use_tc_tiling_on_sc=False),
    )
    def k(table_h, idx_h, out_h, idx_v, rows_v, rep_v, isem, gsem, wsem):
        wid = lax.axis_index("s") * nc + lax.axis_index("c")
        base = wid * bpw
        icopies = [
            pltpu.async_copy(idx_h.at[pl.ds(base + j * _CHUNK, _CHUNK)],
                             idx_v.at[j], isem)
            for j in range(nchunk)
        ]
        for c in icopies:
            c.wait()
        gathers = [
            pltpu.async_copy(table_h.at[idx_v.at[j]],
                             rows_v.at[pl.ds(j * _CHUNK, _CHUNK)], gsem)
            for j in range(nchunk)
        ]
        rows_per_chunk = _CHUNK * _D // 128

        def repack(i, carry):
            src_row = 4 * i
            for j in range(8):
                x = rows_v[src_row + j // 2, pl.ds((j % 2) * 16, 16)]
                rep_v[i, pl.ds(j * 16, 16)] = x
            return carry

        writes = []
        for j in range(nchunk):
            gathers[j].wait()
            lax.fori_loop(j * rows_per_chunk, (j + 1) * rows_per_chunk,
                          repack, 0)
            writes.append(
                pltpu.async_copy(
                    rep_v.at[pl.ds(j * rows_per_chunk, rows_per_chunk)],
                    out_h.at[pl.ds(wid * rpw + j * rows_per_chunk,
                                   rows_per_chunk)],
                    wsem))
        for w in writes:
            w.wait()

    return k(table, idx)


def _tc_layernorm(h128, b, gamma, beta):
    nrows = _B * _D // 128
    blk = 512

    def body(h_ref, b_ref, g_ref, be_ref, o_ref):
        rows = lax.broadcasted_iota(jnp.int32, (128, 128), 0)
        cols = lax.broadcasted_iota(jnp.int32, (128, 128), 1)
        m = jnp.where((rows // _D) == (cols // _D), 1.0 / _D, 0.0)
        x = h_ref[...] + b_ref[0]
        mean = jnp.dot(x, m, preferred_element_type=jnp.float32)
        xc = x - mean
        var = jnp.dot(xc * xc, m, preferred_element_type=jnp.float32)
        r = lax.rsqrt(var + _EPS)
        o_ref[...] = xc * r * g_ref[0] + be_ref[0]

    return pl.pallas_call(
        body,
        grid=(nrows // blk,),
        in_specs=[
            pl.BlockSpec((blk, 128), lambda i: (i, 0)),
            pl.BlockSpec((1, 128), lambda i: (0, 0)),
            pl.BlockSpec((1, 128), lambda i: (0, 0)),
            pl.BlockSpec((1, 128), lambda i: (0, 0)),
        ],
        out_specs=pl.BlockSpec((blk, 128), lambda i: (i, 0)),
        out_shape=jax.ShapeDtypeStruct((nrows, 128), jnp.float32),
    )(h128,
      jnp.tile(b, 4).reshape(1, 128),
      jnp.tile(gamma, 4).reshape(1, 128),
      jnp.tile(beta, 4).reshape(1, 128))


def kernel(species_idx, W, b, gamma, beta):
    table = W.T
    idx = species_idx.astype(jnp.int32)
    h128 = _sc_gather(table, idx)
    o128 = _tc_layernorm(h128, b, gamma, beta)
    return jnp.reshape(o128, (_B, _D))

# --- scband reference (transcript-rebuilt; emitter-appended) ---
"""Pipeline reference for scband-species-encoder-68298569941006 (READ-ONLY COPY).

The authoritative reference and input builder live on the scoring server;
editing this copy changes nothing except your own understanding.
"""

import jax, jax.numpy as jnp
import numpy as np

V = 100000
H = 256
D = 32
B = 16384

def setup_inputs(seed: int = 0) -> dict:
    key = jax.random.key(seed)
    k1, k2 = jax.random.split(key)
    species_idx = jax.random.randint(k1, (B,), 0, V + H, dtype=jnp.int64) if jax.config.read('jax_enable_x64') else jax.random.randint(k1, (B,), 0, V + H, dtype=jnp.int32)
    # Linear(V+H -> D) weight, xavier-uniform init
    fan_in, fan_out = V + H, D
    limit = float(np.sqrt(6.0 / (fan_in + fan_out)))
    W = jax.random.uniform(k2, (D, V + H), dtype=jnp.float32, minval=-limit, maxval=limit)
    b = jnp.zeros((D,), dtype=jnp.float32)
    gamma = jnp.ones((D,), dtype=jnp.float32)
    beta = jnp.zeros((D,), dtype=jnp.float32)
    return {"species_idx": species_idx, "W": W, "b": b, "gamma": gamma, "beta": beta}

def reference(species_idx, W, b, gamma, beta):
    # Each sample encodes exactly one token -> multi-hot S is a one-hot row.
    # S @ W.T is mathematically identical to gathering column `idx` from W.
    emb = jnp.take(W, species_idx, axis=1).T  # [B, D]
    h = emb + b
    # LayerNorm over last dim (eps=1e-5, biased variance, matching torch)
    mean = jnp.mean(h, axis=-1, keepdims=True)
    var = jnp.var(h, axis=-1, keepdims=True)
    out = (h - mean) / jnp.sqrt(var + 1e-5) * gamma + beta
    return out

if __name__ == "__main__":
    import jax
    _d = setup_inputs()
    print(jax.jit(kernel)(*tuple(_d.values())))

</pallas_src>

<mosaic_0001>
#map = affine_map<(d0, d1) -> (0, 0)>
#map1 = affine_map<(d0, d1) -> (0)>
module attributes {stable_mosaic.version = 14 : i64} {
  func.func @k(%arg0: i32, %arg1: i32, %arg2: memref<100256x32xf32, #tpu.memory_space<hbm>>, %arg3: memref<16384xi32, #tpu.memory_space<hbm>>, %arg4: memref<4096x128xf32, #tpu.memory_space<hbm>>, %arg5: memref<4x128xi32, #tpu.memory_space<vmem>>, %arg6: memref<512x32xf32, #tpu.memory_space<vmem>>, %arg7: memref<128x128xf32, #tpu.memory_space<vmem>>, %arg8: memref<!tpu.dma_semaphore, #tpu.memory_space<semaphore_mem>>, %arg9: memref<!tpu.dma_semaphore, #tpu.memory_space<semaphore_mem>>, %arg10: memref<!tpu.dma_semaphore, #tpu.memory_space<semaphore_mem>>) attributes {dimension_semantics = [#tpu.dimension_semantics<core_parallel>, #tpu.dimension_semantics<subcore_parallel>], iteration_bounds = array<i64: 2, 16>, scalar_prefetch = 0 : i64, scratch_operands = 6 : i64, tpu.core_type = #tpu.core_type<sc_vector_subcore>, window_params = [{transform_indices = #map}, {transform_indices = #map1}, {transform_indices = #map}]} {
    %mul3A = arith.constant 2 : i32
    %mul3A_0 = arith.muli %arg1, %mul3A : i32
    %add3A = arith.addi %mul3A_0, %arg0 : i32
    %mul3A_1 = arith.constant 512 : i32
    %mul3A_2 = arith.muli %add3A, %mul3A_1 : i32
    %add3A_3 = arith.constant 0 : i32
    %add3A_4 = arith.addi %mul3A_2, %add3A_3 : i32
    %dma_start3A = arith.constant 0 : i32
    %dma_start3A_5 = arith.constant 0 : i32
    %dma_start3A_6 = tpu.memref_slice %arg5[%dma_start3A, %dma_start3A_5] : memref<4x128xi32, #tpu.memory_space<vmem>> -> memref<1x128xi32, #tpu.memory_space<vmem>>
    %dma_start3A_7 = tpu.memref_squeeze %dma_start3A_6 : memref<1x128xi32, #tpu.memory_space<vmem>> -> memref<128xi32, #tpu.memory_space<vmem>>
    %dma_start3A_8 = tpu.memref_slice %arg3[%add3A_4] : memref<16384xi32, #tpu.memory_space<hbm>> -> memref<128xi32, #tpu.memory_space<hbm>>
    %dma_start3A_9 = arith.constant 0 : i32
    %dma_start3A_10 = tpu.memref_slice %arg5[%dma_start3A, %dma_start3A_9] : memref<4x128xi32, #tpu.memory_space<vmem>> -> memref<1x128xi32, #tpu.memory_space<vmem>>
    %dma_start3A_11 = tpu.memref_squeeze %dma_start3A_10 : memref<1x128xi32, #tpu.memory_space<vmem>> -> memref<128xi32, #tpu.memory_space<vmem>>
    %dma_start3A_12 = tpu.memref_slice %arg3[%add3A_4] : memref<16384xi32, #tpu.memory_space<hbm>> -> memref<128xi32, #tpu.memory_space<hbm>>
    tpu.enqueue_dma source(%dma_start3A_12 : memref<128xi32, #tpu.memory_space<hbm>>) target(%dma_start3A_11 : memref<128xi32, #tpu.memory_space<vmem>>) target_semaphore(%arg8 : memref<!tpu.dma_semaphore, #tpu.memory_space<semaphore_mem>>)
    %add3A_13 = arith.constant 128 : i32
    %add3A_14 = arith.addi %mul3A_2, %add3A_13 : i32
    %dma_start3A_15 = arith.constant 1 : i32
    %dma_start3A_16 = arith.constant 0 : i32
    %dma_start3A_17 = tpu.memref_slice %arg5[%dma_start3A_15, %dma_start3A_16] : memref<4x128xi32, #tpu.memory_space<vmem>> -> memref<1x128xi32, #tpu.memory_space<vmem>>
    %dma_start3A_18 = tpu.memref_squeeze %dma_start3A_17 : memref<1x128xi32, #tpu.memory_space<vmem>> -> memref<128xi32, #tpu.memory_space<vmem>>
    %dma_start3A_19 = tpu.memref_slice %arg3[%add3A_14] : memref<16384xi32, #tpu.memory_space<hbm>> -> memref<128xi32, #tpu.memory_space<hbm>>
    %dma_start3A_20 = arith.constant 0 : i32
    %dma_start3A_21 = tpu.memref_slice %arg5[%dma_start3A_15, %dma_start3A_20] : memref<4x128xi32, #tpu.memory_space<vmem>> -> memref<1x128xi32, #tpu.memory_space<vmem>>
    %dma_start3A_22 = tpu.memref_squeeze %dma_start3A_21 : memref<1x128xi32, #tpu.memory_space<vmem>> -> memref<128xi32, #tpu.memory_space<vmem>>
    %dma_start3A_23 = tpu.memref_slice %arg3[%add3A_14] : memref<16384xi32, #tpu.memory_space<hbm>> -> memref<128xi32, #tpu.memory_space<hbm>>
    tpu.enqueue_dma source(%dma_start3A_23 : memref<128xi32, #tpu.memory_space<hbm>>) target(%dma_start3A_22 : memref<128xi32, #tpu.memory_space<vmem>>) target_semaphore(%arg8 : memref<!tpu.dma_semaphore, #tpu.memory_space<semaphore_mem>>)
    %add3A_24 = arith.constant 256 : i32
    %add3A_25 = arith.addi %mul3A_2, %add3A_24 : i32
    %dma_start3A_26 = arith.constant 2 : i32
    %dma_start3A_27 = arith.constant 0 : i32
    %dma_start3A_28 = tpu.memref_slice %arg5[%dma_start3A_26, %dma_start3A_27] : memref<4x128xi32, #tpu.memory_space<vmem>> -> memref<1x128xi32, #tpu.memory_space<vmem>>
    %dma_start3A_29 = tpu.memref_squeeze %dma_start3A_28 : memref<1x128xi32, #tpu.memory_space<vmem>> -> memref<128xi32, #tpu.memory_space<vmem>>
    %dma_start3A_30 = tpu.memref_slice %arg3[%add3A_25] : memref<16384xi32, #tpu.memory_space<hbm>> -> memref<128xi32, #tpu.memory_space<hbm>>
    %dma_start3A_31 = arith.constant 0 : i32
    %dma_start3A_32 = tpu.memref_slice %arg5[%dma_start3A_26, %dma_start3A_31] : memref<4x128xi32, #tpu.memory_space<vmem>> -> memref<1x128xi32, #tpu.memory_space<vmem>>
    %dma_start3A_33 = tpu.memref_squeeze %dma_start3A_32 : memref<1x128xi32, #tpu.memory_space<vmem>> -> memref<128xi32, #tpu.memory_space<vmem>>
    %dma_start3A_34 = tpu.memref_slice %arg3[%add3A_25] : memref<16384xi32, #tpu.memory_space<hbm>> -> memref<128xi32, #tpu.memory_space<hbm>>
    tpu.enqueue_dma source(%dma_start3A_34 : memref<128xi32, #tpu.memory_space<hbm>>) target(%dma_start3A_33 : memref<128xi32, #tpu.memory_space<vmem>>) target_semaphore(%arg8 : memref<!tpu.dma_semaphore, #tpu.memory_space<semaphore_mem>>)
    %add3A_35 = arith.constant 384 : i32
    %add3A_36 = arith.addi %mul3A_2, %add3A_35 : i32
    %dma_start3A_37 = arith.constant 3 : i32
    %dma_start3A_38 = arith.constant 0 : i32
    %dma_start3A_39 = tpu.memref_slice %arg5[%dma_start3A_37, %dma_start3A_38] : memref<4x128xi32, #tpu.memory_space<vmem>> -> memref<1x128xi32, #tpu.memory_space<vmem>>
    %dma_start3A_40 = tpu.memref_squeeze %dma_start3A_39 : memref<1x128xi32, #tpu.memory_space<vmem>> -> memref<128xi32, #tpu.memory_space<vmem>>
    %dma_start3A_41 = tpu.memref_slice %arg3[%add3A_36] : memref<16384xi32, #tpu.memory_space<hbm>> -> memref<128xi32, #tpu.memory_space<hbm>>
    %dma_start3A_42 = arith.constant 0 : i32
    %dma_start3A_43 = tpu.memref_slice %arg5[%dma_start3A_37, %dma_start3A_42] : memref<4x128xi32, #tpu.memory_space<vmem>> -> memref<1x128xi32, #tpu.memory_space<vmem>>
    %dma_start3A_44 = tpu.memref_squeeze %dma_start3A_43 : memref<1x128xi32, #tpu.memory_space<vmem>> -> memref<128xi32, #tpu.memory_space<vmem>>
    %dma_start3A_45 = tpu.memref_slice %arg3[%add3A_36] : memref<16384xi32, #tpu.memory_space<hbm>> -> memref<128xi32, #tpu.memory_space<hbm>>
    tpu.enqueue_dma source(%dma_start3A_45 : memref<128xi32, #tpu.memory_space<hbm>>) target(%dma_start3A_44 : memref<128xi32, #tpu.memory_space<vmem>>) target_semaphore(%arg8 : memref<!tpu.dma_semaphore, #tpu.memory_space<semaphore_mem>>)
    %dma_wait3A = arith.constant 0 : i32
    %dma_wait3A_46 = arith.constant 0 : i32
    %dma_wait3A_47 = tpu.memref_slice %arg5[%dma_wait3A, %dma_wait3A_46] : memref<4x128xi32, #tpu.memory_space<vmem>> -> memref<1x128xi32, #tpu.memory_space<vmem>>
    %dma_wait3A_48 = tpu.memref_squeeze %dma_wait3A_47 : memref<1x128xi32, #tpu.memory_space<vmem>> -> memref<128xi32, #tpu.memory_space<vmem>>
    %dma_wait3A_49 = tpu.memref_slice %arg3[%add3A_4] : memref<16384xi32, #tpu.memory_space<hbm>> -> memref<128xi32, #tpu.memory_space<hbm>>
    %dma_wait3A_50 = arith.constant 0 : i32
    %dma_wait3A_51 = tpu.memref_slice %arg5[%dma_wait3A, %dma_wait3A_50] : memref<4x128xi32, #tpu.memory_space<vmem>> -> memref<1x128xi32, #tpu.memory_space<vmem>>
    %dma_wait3A_52 = tpu.memref_squeeze %dma_wait3A_51 : memref<1x128xi32, #tpu.memory_space<vmem>> -> memref<128xi32, #tpu.memory_space<vmem>>
    %dma_wait3A_53 = tpu.memref_slice %arg3[%add3A_4] : memref<16384xi32, #tpu.memory_space<hbm>> -> memref<128xi32, #tpu.memory_space<hbm>>
    tpu.wait_dma2 semaphore(%arg8 : memref<!tpu.dma_semaphore, #tpu.memory_space<semaphore_mem>>) src(%dma_wait3A_53 : memref<128xi32, #tpu.memory_space<hbm>>) dst(%dma_wait3A_52 : memref<128xi32, #tpu.memory_space<vmem>>)
    %dma_wait3A_54 = arith.constant 1 : i32
    %dma_wait3A_55 = arith.constant 0 : i32
    %dma_wait3A_56 = tpu.memref_slice %arg5[%dma_wait3A_54, %dma_wait3A_55] : memref<4x128xi32, #tpu.memory_space<vmem>> -> memref<1x128xi32, #tpu.memory_space<vmem>>
    %dma_wait3A_57 = tpu.memref_squeeze %dma_wait3A_56 : memref<1x128xi32, #tpu.memory_space<vmem>> -> memref<128xi32, #tpu.memory_space<vmem>>
    %dma_wait3A_58 = tpu.memref_slice %arg3[%add3A_14] : memref<16384xi32, #tpu.memory_space<hbm>> -> memref<128xi32, #tpu.memory_space<hbm>>
    %dma_wait3A_59 = arith.constant 0 : i32
    %dma_wait3A_60 = tpu.memref_slice %arg5[%dma_wait3A_54, %dma_wait3A_59] : memref<4x128xi32, #tpu.memory_space<vmem>> -> memref<1x128xi32, #tpu.memory_space<vmem>>
    %dma_wait3A_61 = tpu.memref_squeeze %dma_wait3A_60 : memref<1x128xi32, #tpu.memory_space<vmem>> -> memref<128xi32, #tpu.memory_space<vmem>>
    %dma_wait3A_62 = tpu.memref_slice %arg3[%add3A_14] : memref<16384xi32, #tpu.memory_space<hbm>> -> memref<128xi32, #tpu.memory_space<hbm>>
    tpu.wait_dma2 semaphore(%arg8 : memref<!tpu.dma_semaphore, #tpu.memory_space<semaphore_mem>>) src(%dma_wait3A_62 : memref<128xi32, #tpu.memory_space<hbm>>) dst(%dma_wait3A_61 : memref<128xi32, #tpu.memory_space<vmem>>)
    %dma_wait3A_63 = arith.constant 2 : i32
    %dma_wait3A_64 = arith.constant 0 : i32
    %dma_wait3A_65 = tpu.memref_slice %arg5[%dma_wait3A_63, %dma_wait3A_64] : memref<4x128xi32, #tpu.memory_space<vmem>> -> memref<1x128xi32, #tpu.memory_space<vmem>>
    %dma_wait3A_66 = tpu.memref_squeeze %dma_wait3A_65 : memref<1x128xi32, #tpu.memory_space<vmem>> -> memref<128xi32, #tpu.memory_space<vmem>>
    %dma_wait3A_67 = tpu.memref_slice %arg3[%add3A_25] : memref<16384xi32, #tpu.memory_space<hbm>> -> memref<128xi32, #tpu.memory_space<hbm>>
    %dma_wait3A_68 = arith.constant 0 : i32
    %dma_wait3A_69 = tpu.memref_slice %arg5[%dma_wait3A_63, %dma_wait3A_68] : memref<4x128xi32, #tpu.memory_space<vmem>> -> memref<1x128xi32, #tpu.memory_space<vmem>>
    %dma_wait3A_70 = tpu.memref_squeeze %dma_wait3A_69 : memref<1x128xi32, #tpu.memory_space<vmem>> -> memref<128xi32, #tpu.memory_space<vmem>>
    %dma_wait3A_71 = tpu.memref_slice %arg3[%add3A_25] : memref<16384xi32, #tpu.memory_space<hbm>> -> memref<128xi32, #tpu.memory_space<hbm>>
    tpu.wait_dma2 semaphore(%arg8 : memref<!tpu.dma_semaphore, #tpu.memory_space<semaphore_mem>>) src(%dma_wait3A_71 : memref<128xi32, #tpu.memory_space<hbm>>) dst(%dma_wait3A_70 : memref<128xi32, #tpu.memory_space<vmem>>)
    %dma_wait3A_72 = arith.constant 3 : i32
    %dma_wait3A_73 = arith.constant 0 : i32
    %dma_wait3A_74 = tpu.memref_slice %arg5[%dma_wait3A_72, %dma_wait3A_73] : memref<4x128xi32, #tpu.memory_space<vmem>> -> memref<1x128xi32, #tpu.memory_space<vmem>>
    %dma_wait3A_75 = tpu.memref_squeeze %dma_wait3A_74 : memref<1x128xi32, #tpu.memory_space<vmem>> -> memref<128xi32, #tpu.memory_space<vmem>>
    %dma_wait3A_76 = tpu.memref_slice %arg3[%add3A_36] : memref<16384xi32, #tpu.memory_space<hbm>> -> memref<128xi32, #tpu.memory_space<hbm>>
    %dma_wait3A_77 = arith.constant 0 : i32
    %dma_wait3A_78 = tpu.memref_slice %arg5[%dma_wait3A_72, %dma_wait3A_77] : memref<4x128xi32, #tpu.memory_space<vmem>> -> memref<1x128xi32, #tpu.memory_space<vmem>>
    %dma_wait3A_79 = tpu.memref_squeeze %dma_wait3A_78 : memref<1x128xi32, #tpu.memory_space<vmem>> -> memref<128xi32, #tpu.memory_space<vmem>>
    %dma_wait3A_80 = tpu.memref_slice %arg3[%add3A_36] : memref<16384xi32, #tpu.memory_space<hbm>> -> memref<128xi32, #tpu.memory_space<hbm>>
    tpu.wait_dma2 semaphore(%arg8 : memref<!tpu.dma_semaphore, #tpu.memory_space<semaphore_mem>>) src(%dma_wait3A_80 : memref<128xi32, #tpu.memory_space<hbm>>) dst(%dma_wait3A_79 : memref<128xi32, #tpu.memory_space<vmem>>)
    %dma_start3A_81 = arith.constant 0 : i32
    %dma_start3A_82 = arith.constant 0 : i32
    %dma_start3A_83 = arith.constant 0 : i32
    %dma_start3A_84 = tpu.memref_slice %arg6[%dma_start3A_82, %dma_start3A_83] : memref<512x32xf32, #tpu.memory_space<vmem>> -> memref<128x32xf32, #tpu.memory_space<vmem>>
    %dma_start3A_85 = arith.constant 0 : i32
    %dma_start3A_86 = tpu.memref_slice %arg5[%dma_start3A_81, %dma_start3A_85] : memref<4x128xi32, #tpu.memory_space<vmem>> -> memref<1x128xi32, #tpu.memory_space<vmem>>
    %dma_start3A_87 = tpu.memref_squeeze %dma_start3A_86 : memref<1x128xi32, #tpu.memory_space<vmem>> -> memref<128xi32, #tpu.memory_space<vmem>>
    %dma_start3A_88 = arith.constant 0 : i32
    %dma_start3A_89 = arith.constant 0 : i32
    %dma_start3A_90 = tpu.memref_slice %arg2[%dma_start3A_88, %dma_start3A_89] : memref<100256x32xf32, #tpu.memory_space<hbm>> -> memref<100256x32xf32, #tpu.memory_space<hbm>>
    tpu.enqueue_indirect_dma source(%dma_start3A_90 : memref<100256x32xf32, #tpu.memory_space<hbm>>) target(%dma_start3A_84 : memref<128x32xf32, #tpu.memory_space<vmem>>) offsets(%dma_start3A_87 : memref<128xi32, #tpu.memory_space<vmem>>) semaphore(%arg9 : memref<!tpu.dma_semaphore, #tpu.memory_space<semaphore_mem>>)
    %dma_start3A_91 = arith.constant 1 : i32
    %dma_start3A_92 = arith.constant 128 : i32
    %dma_start3A_93 = arith.constant 0 : i32
    %dma_start3A_94 = tpu.memref_slice %arg6[%dma_start3A_92, %dma_start3A_93] : memref<512x32xf32, #tpu.memory_space<vmem>> -> memref<128x32xf32, #tpu.memory_space<vmem>>
    %dma_start3A_95 = arith.constant 0 : i32
    %dma_start3A_96 = tpu.memref_slice %arg5[%dma_start3A_91, %dma_start3A_95] : memref<4x128xi32, #tpu.memory_space<vmem>> -> memref<1x128xi32, #tpu.memory_space<vmem>>
    %dma_start3A_97 = tpu.memref_squeeze %dma_start3A_96 : memref<1x128xi32, #tpu.memory_space<vmem>> -> memref<128xi32, #tpu.memory_space<vmem>>
    %dma_start3A_98 = arith.constant 0 : i32
    %dma_start3A_99 = arith.constant 0 : i32
    %dma_start3A_100 = tpu.memref_slice %arg2[%dma_start3A_98, %dma_start3A_99] : memref<100256x32xf32, #tpu.memory_space<hbm>> -> memref<100256x32xf32, #tpu.memory_space<hbm>>
    tpu.enqueue_indirect_dma source(%dma_start3A_100 : memref<100256x32xf32, #tpu.memory_space<hbm>>) target(%dma_start3A_94 : memref<128x32xf32, #tpu.memory_space<vmem>>) offsets(%dma_start3A_97 : memref<128xi32, #tpu.memory_space<vmem>>) semaphore(%arg9 : memref<!tpu.dma_semaphore, #tpu.memory_space<semaphore_mem>>)
    %dma_start3A_101 = arith.constant 2 : i32
    %dma_start3A_102 = arith.constant 256 : i32
    %dma_start3A_103 = arith.constant 0 : i32
    %dma_start3A_104 = tpu.memref_slice %arg6[%dma_start3A_102, %dma_start3A_103] : memref<512x32xf32, #tpu.memory_space<vmem>> -> memref<128x32xf32, #tpu.memory_space<vmem>>
    %dma_start3A_105 = arith.constant 0 : i32
    %dma_start3A_106 = tpu.memref_slice %arg5[%dma_start3A_101, %dma_start3A_105] : memref<4x128xi32, #tpu.memory_space<vmem>> -> memref<1x128xi32, #tpu.memory_space<vmem>>
    %dma_start3A_107 = tpu.memref_squeeze %dma_start3A_106 : memref<1x128xi32, #tpu.memory_space<vmem>> -> memref<128xi32, #tpu.memory_space<vmem>>
    %dma_start3A_108 = arith.constant 0 : i32
    %dma_start3A_109 = arith.constant 0 : i32
    %dma_start3A_110 = tpu.memref_slice %arg2[%dma_start3A_108, %dma_start3A_109] : memref<100256x32xf32, #tpu.memory_space<hbm>> -> memref<100256x32xf32, #tpu.memory_space<hbm>>
    tpu.enqueue_indirect_dma source(%dma_start3A_110 : memref<100256x32xf32, #tpu.memory_space<hbm>>) target(%dma_start3A_104 : memref<128x32xf32, #tpu.memory_space<vmem>>) offsets(%dma_start3A_107 : memref<128xi32, #tpu.memory_space<vmem>>) semaphore(%arg9 : memref<!tpu.dma_semaphore, #tpu.memory_space<semaphore_mem>>)
    %dma_start3A_111 = arith.constant 3 : i32
    %dma_start3A_112 = arith.constant 384 : i32
    %dma_start3A_113 = arith.constant 0 : i32
    %dma_start3A_114 = tpu.memref_slice %arg6[%dma_start3A_112, %dma_start3A_113] : memref<512x32xf32, #tpu.memory_space<vmem>> -> memref<128x32xf32, #tpu.memory_space<vmem>>
    %dma_start3A_115 = arith.constant 0 : i32
    %dma_start3A_116 = tpu.memref_slice %arg5[%dma_start3A_111, %dma_start3A_115] : memref<4x128xi32, #tpu.memory_space<vmem>> -> memref<1x128xi32, #tpu.memory_space<vmem>>
    %dma_start3A_117 = tpu.memref_squeeze %dma_start3A_116 : memref<1x128xi32, #tpu.memory_space<vmem>> -> memref<128xi32, #tpu.memory_space<vmem>>
    %dma_start3A_118 = arith.constant 0 : i32
    %dma_start3A_119 = arith.constant 0 : i32
    %dma_start3A_120 = tpu.memref_slice %arg2[%dma_start3A_118, %dma_start3A_119] : memref<100256x32xf32, #tpu.memory_space<hbm>> -> memref<100256x32xf32, #tpu.memory_space<hbm>>
    tpu.enqueue_indirect_dma source(%dma_start3A_120 : memref<100256x32xf32, #tpu.memory_space<hbm>>) target(%dma_start3A_114 : memref<128x32xf32, #tpu.memory_space<vmem>>) offsets(%dma_start3A_117 : memref<128xi32, #tpu.memory_space<vmem>>) semaphore(%arg9 : memref<!tpu.dma_semaphore, #tpu.memory_space<semaphore_mem>>)
    %dma_wait3A_121 = arith.constant 0 : i32
    %dma_wait3A_122 = arith.constant 0 : i32
    %dma_wait3A_123 = arith.constant 0 : i32
    %dma_wait3A_124 = tpu.memref_slice %arg6[%dma_wait3A_122, %dma_wait3A_123] : memref<512x32xf32, #tpu.memory_space<vmem>> -> memref<128x32xf32, #tpu.memory_space<vmem>>
    %dma_wait3A_125 = arith.constant 0 : i32
    %dma_wait3A_126 = tpu.memref_slice %arg5[%dma_wait3A_121, %dma_wait3A_125] : memref<4x128xi32, #tpu.memory_space<vmem>> -> memref<1x128xi32, #tpu.memory_space<vmem>>
    %dma_wait3A_127 = tpu.memref_squeeze %dma_wait3A_126 : memref<1x128xi32, #tpu.memory_space<vmem>> -> memref<128xi32, #tpu.memory_space<vmem>>
    %dma_wait3A_128 = arith.constant 0 : i32
    %dma_wait3A_129 = arith.constant 0 : i32
    %dma_wait3A_130 = tpu.memref_slice %arg2[%dma_wait3A_128, %dma_wait3A_129] : memref<100256x32xf32, #tpu.memory_space<hbm>> -> memref<100256x32xf32, #tpu.memory_space<hbm>>
    tpu.wait_indirect_dma semaphore(%arg9 : memref<!tpu.dma_semaphore, #tpu.memory_space<semaphore_mem>>) src(%dma_wait3A_130 : memref<100256x32xf32, #tpu.memory_space<hbm>>) dst(%dma_wait3A_124 : memref<128x32xf32, #tpu.memory_space<vmem>>)
    %scan3A = arith.constant 0 : i32
    %scan3A_131 = arith.constant 0 : i32
    %scan3A_132 = arith.constant 32 : i32
    %scan3A_133 = arith.addi %scan3A_131, %scan3A_132 : i32
    %scan3A_134 = arith.constant 1 : i32
    scf.for %scan3A_280 = %scan3A_131 to %scan3A_133 step %scan3A_134  : i32 {
      %mul3A_281 = arith.constant 4 : i32
      %mul3A_282 = arith.muli %mul3A_281, %scan3A_280 : i32
      %add3A_283 = arith.constant 0 : i32
      %add3A_284 = arith.addi %mul3A_282, %add3A_283 : i32
      %get3A = arith.index_cast %add3A_284 : i32 to index
      %get3A_285 = arith.constant 0 : index
      %get3A_286 = tpu.vector_load %arg6[%get3A, %get3A_285] {strides = array<i32>} : memref<512x32xf32, #tpu.memory_space<vmem>>, vector<16xf32>,
      %swap3A = arith.index_cast %scan3A_280 : i32 to index
      %swap3A_287 = arith.constant 0 : index
      %swap3A_288 = tpu.vector_load %arg7[%swap3A, %swap3A_287] {strides = array<i32>} : memref<128x128xf32, #tpu.memory_space<vmem>>, vector<16xf32>,
      tpu.vector_store %arg7[%swap3A, %swap3A_287], %get3A_286 {strides = array<i32>} : memref<128x128xf32, #tpu.memory_space<vmem>>, vector<16xf32>,
      %add3A_289 = arith.constant 0 : i32
      %add3A_290 = arith.addi %mul3A_282, %add3A_289 : i32
      %get3A_291 = arith.index_cast %add3A_290 : i32 to index
      %get3A_292 = arith.constant 16 : index
      %get3A_293 = tpu.vector_load %arg6[%get3A_291, %get3A_292] {strides = array<i32>} : memref<512x32xf32, #tpu.memory_space<vmem>>, vector<16xf32>,
      %swap3A_294 = arith.index_cast %scan3A_280 : i32 to index
      %swap3A_295 = arith.constant 16 : index
      %swap3A_296 = tpu.vector_load %arg7[%swap3A_294, %swap3A_295] {strides = array<i32>} : memref<128x128xf32, #tpu.memory_space<vmem>>, vector<16xf32>,
      tpu.vector_store %arg7[%swap3A_294, %swap3A_295], %get3A_293 {strides = array<i32>} : memref<128x128xf32, #tpu.memory_space<vmem>>, vector<16xf32>,
      %add3A_297 = arith.constant 1 : i32
      %add3A_298 = arith.addi %mul3A_282, %add3A_297 : i32
      %get3A_299 = arith.index_cast %add3A_298 : i32 to index
      %get3A_300 = arith.constant 0 : index
      %get3A_301 = tpu.vector_load %arg6[%get3A_299, %get3A_300] {strides = array<i32>} : memref<512x32xf32, #tpu.memory_space<vmem>>, vector<16xf32>,
      %swap3A_302 = arith.index_cast %scan3A_280 : i32 to index
      %swap3A_303 = arith.constant 32 : index
      %swap3A_304 = tpu.vector_load %arg7[%swap3A_302, %swap3A_303] {strides = array<i32>} : memref<128x128xf32, #tpu.memory_space<vmem>>, vector<16xf32>,
      tpu.vector_store %arg7[%swap3A_302, %swap3A_303], %get3A_301 {strides = array<i32>} : memref<128x128xf32, #tpu.memory_space<vmem>>, vector<16xf32>,
      %add3A_305 = arith.constant 1 : i32
      %add3A_306 = arith.addi %mul3A_282, %add3A_305 : i32
      %get3A_307 = arith.index_cast %add3A_306 : i32 to index
      %get3A_308 = arith.constant 16 : index
      %get3A_309 = tpu.vector_load %arg6[%get3A_307, %get3A_308] {strides = array<i32>} : memref<512x32xf32, #tpu.memory_space<vmem>>, vector<16xf32>,
      %swap3A_310 = arith.index_cast %scan3A_280 : i32 to index
      %swap3A_311 = arith.constant 48 : index
      %swap3A_312 = tpu.vector_load %arg7[%swap3A_310, %swap3A_311] {strides = array<i32>} : memref<128x128xf32, #tpu.memory_space<vmem>>, vector<16xf32>,
      tpu.vector_store %arg7[%swap3A_310, %swap3A_311], %get3A_309 {strides = array<i32>} : memref<128x128xf32, #tpu.memory_space<vmem>>, vector<16xf32>,
      %add3A_313 = arith.constant 2 : i32
      %add3A_314 = arith.addi %mul3A_282, %add3A_313 : i32
      %get3A_315 = arith.index_cast %add3A_314 : i32 to index
      %get3A_316 = arith.constant 0 : index
      %get3A_317 = tpu.vector_load %arg6[%get3A_315, %get3A_316] {strides = array<i32>} : memref<512x32xf32, #tpu.memory_space<vmem>>, vector<16xf32>,
      %swap3A_318 = arith.index_cast %scan3A_280 : i32 to index
      %swap3A_319 = arith.constant 64 : index
      %swap3A_320 = tpu.vector_load %arg7[%swap3A_318, %swap3A_319] {strides = array<i32>} : memref<128x128xf32, #tpu.memory_space<vmem>>, vector<16xf32>,
      tpu.vector_store %arg7[%swap3A_318, %swap3A_319], %get3A_317 {strides = array<i32>} : memref<128x128xf32, #tpu.memory_space<vmem>>, vector<16xf32>,
      %add3A_321 = arith.constant 2 : i32
      %add3A_322 = arith.addi %mul3A_282, %add3A_321 : i32
      %get3A_323 = arith.index_cast %add3A_322 : i32 to index
      %get3A_324 = arith.constant 16 : index
      %get3A_325 = tpu.vector_load %arg6[%get3A_323, %get3A_324] {strides = array<i32>} : memref<512x32xf32, #tpu.memory_space<vmem>>, vector<16xf32>,
      %swap3A_326 = arith.index_cast %scan3A_280 : i32 to index
      %swap3A_327 = arith.constant 80 : index
      %swap3A_328 = tpu.vector_load %arg7[%swap3A_326, %swap3A_327] {strides = array<i32>} : memref<128x128xf32, #tpu.memory_space<vmem>>, vector<16xf32>,
      tpu.vector_store %arg7[%swap3A_326, %swap3A_327], %get3A_325 {strides = array<i32>} : memref<128x128xf32, #tpu.memory_space<vmem>>, vector<16xf32>,
      %add3A_329 = arith.constant 3 : i32
      %add3A_330 = arith.addi %mul3A_282, %add3A_329 : i32
      %get3A_331 = arith.index_cast %add3A_330 : i32 to index
      %get3A_332 = arith.constant 0 : index
      %get3A_333 = tpu.vector_load %arg6[%get3A_331, %get3A_332] {strides = array<i32>} : memref<512x32xf32, #tpu.memory_space<vmem>>, vector<16xf32>,
      %swap3A_334 = arith.index_cast %scan3A_280 : i32 to index
      %swap3A_335 = arith.constant 96 : index
      %swap3A_336 = tpu.vector_load %arg7[%swap3A_334, %swap3A_335] {strides = array<i32>} : memref<128x128xf32, #tpu.memory_space<vmem>>, vector<16xf32>,
      tpu.vector_store %arg7[%swap3A_334, %swap3A_335], %get3A_333 {strides = array<i32>} : memref<128x128xf32, #tpu.memory_space<vmem>>, vector<16xf32>,
      %add3A_337 = arith.constant 3 : i32
      %add3A_338 = arith.addi %mul3A_282, %add3A_337 : i32
      %get3A_339 = arith.index_cast %add3A_338 : i32 to index
      %get3A_340 = arith.constant 16 : index
      %get3A_341 = tpu.vector_load %arg6[%get3A_339, %get3A_340] {strides = array<i32>} : memref<512x32xf32, #tpu.memory_space<vmem>>, vector<16xf32>,
      %swap3A_342 = arith.index_cast %scan3A_280 : i32 to index
      %swap3A_343 = arith.constant 112 : index
      %swap3A_344 = tpu.vector_load %arg7[%swap3A_342, %swap3A_343] {strides = array<i32>} : memref<128x128xf32, #tpu.memory_space<vmem>>, vector<16xf32>,
      tpu.vector_store %arg7[%swap3A_342, %swap3A_343], %get3A_341 {strides = array<i32>} : memref<128x128xf32, #tpu.memory_space<vmem>>, vector<16xf32>,
    }
    %scan3A_135 = arith.constant 32 : i32
    %mul3A_136 = arith.constant 128 : i32
    %mul3A_137 = arith.muli %add3A, %mul3A_136 : i32
    %add3A_138 = arith.constant 0 : i32
    %add3A_139 = arith.addi %mul3A_137, %add3A_138 : i32
    %dma_start3A_140 = arith.constant 0 : i32
    %dma_start3A_141 = arith.constant 0 : i32
    %dma_start3A_142 = tpu.memref_slice %arg7[%dma_start3A_140, %dma_start3A_141] : memref<128x128xf32, #tpu.memory_space<vmem>> -> memref<32x128xf32, #tpu.memory_space<vmem>>
    %dma_start3A_143 = arith.constant 0 : i32
    %dma_start3A_144 = tpu.memref_slice %arg4[%add3A_139, %dma_start3A_143] : memref<4096x128xf32, #tpu.memory_space<hbm>> -> memref<32x128xf32, #tpu.memory_space<hbm>>
    %dma_start3A_145 = arith.constant 0 : i32
    %dma_start3A_146 = tpu.memref_slice %arg4[%add3A_139, %dma_start3A_145] : memref<4096x128xf32, #tpu.memory_space<hbm>> -> memref<32x128xf32, #tpu.memory_space<hbm>>
    %dma_start3A_147 = arith.constant 0 : i32
    %dma_start3A_148 = arith.constant 0 : i32
    %dma_start3A_149 = tpu.memref_slice %arg7[%dma_start3A_147, %dma_start3A_148] : memref<128x128xf32, #tpu.memory_space<vmem>> -> memref<32x128xf32, #tpu.memory_space<vmem>>
    tpu.enqueue_dma source(%dma_start3A_149 : memref<32x128xf32, #tpu.memory_space<vmem>>) target(%dma_start3A_146 : memref<32x128xf32, #tpu.memory_space<hbm>>) target_semaphore(%arg10 : memref<!tpu.dma_semaphore, #tpu.memory_space<semaphore_mem>>)
    %dma_wait3A_150 = arith.constant 1 : i32
    %dma_wait3A_151 = arith.constant 128 : i32
    %dma_wait3A_152 = arith.constant 0 : i32
    %dma_wait3A_153 = tpu.memref_slice %arg6[%dma_wait3A_151, %dma_wait3A_152] : memref<512x32xf32, #tpu.memory_space<vmem>> -> memref<128x32xf32, #tpu.memory_space<vmem>>
    %dma_wait3A_154 = arith.constant 0 : i32
    %dma_wait3A_155 = tpu.memref_slice %arg5[%dma_wait3A_150, %dma_wait3A_154] : memref<4x128xi32, #tpu.memory_space<vmem>> -> memref<1x128xi32, #tpu.memory_space<vmem>>
    %dma_wait3A_156 = tpu.memref_squeeze %dma_wait3A_155 : memref<1x128xi32, #tpu.memory_space<vmem>> -> memref<128xi32, #tpu.memory_space<vmem>>
    %dma_wait3A_157 = arith.constant 0 : i32
    %dma_wait3A_158 = arith.constant 0 : i32
    %dma_wait3A_159 = tpu.memref_slice %arg2[%dma_wait3A_157, %dma_wait3A_158] : memref<100256x32xf32, #tpu.memory_space<hbm>> -> memref<100256x32xf32, #tpu.memory_space<hbm>>
    tpu.wait_indirect_dma semaphore(%arg9 : memref<!tpu.dma_semaphore, #tpu.memory_space<semaphore_mem>>) src(%dma_wait3A_159 : memref<100256x32xf32, #tpu.memory_space<hbm>>) dst(%dma_wait3A_153 : memref<128x32xf32, #tpu.memory_space<vmem>>)
    %scan3A_160 = arith.constant 0 : i32
    %scan3A_161 = arith.constant 32 : i32
    %scan3A_162 = arith.constant 32 : i32
    %scan3A_163 = arith.addi %scan3A_161, %scan3A_162 : i32
    %scan3A_164 = arith.constant 1 : i32
    scf.for %scan3A_280 = %scan3A_161 to %scan3A_163 step %scan3A_164  : i32 {
      %mul3A_281 = arith.constant 4 : i32
      %mul3A_282 = arith.muli %mul3A_281, %scan3A_280 : i32
      %add3A_283 = arith.constant 0 : i32
      %add3A_284 = arith.addi %mul3A_282, %add3A_283 : i32
      %get3A = arith.index_cast %add3A_284 : i32 to index
      %get3A_285 = arith.constant 0 : index
      %get3A_286 = tpu.vector_load %arg6[%get3A, %get3A_285] {strides = array<i32>} : memref<512x32xf32, #tpu.memory_space<vmem>>, vector<16xf32>,
      %swap3A = arith.index_cast %scan3A_280 : i32 to index
      %swap3A_287 = arith.constant 0 : index
      %swap3A_288 = tpu.vector_load %arg7[%swap3A, %swap3A_287] {strides = array<i32>} : memref<128x128xf32, #tpu.memory_space<vmem>>, vector<16xf32>,
      tpu.vector_store %arg7[%swap3A, %swap3A_287], %get3A_286 {strides = array<i32>} : memref<128x128xf32, #tpu.memory_space<vmem>>, vector<16xf32>,
      %add3A_289 = arith.constant 0 : i32
      %add3A_290 = arith.addi %mul3A_282, %add3A_289 : i32
      %get3A_291 = arith.index_cast %add3A_290 : i32 to index
      %get3A_292 = arith.constant 16 : index
      %get3A_293 = tpu.vector_load %arg6[%get3A_291, %get3A_292] {strides = array<i32>} : memref<512x32xf32, #tpu.memory_space<vmem>>, vector<16xf32>,
      %swap3A_294 = arith.index_cast %scan3A_280 : i32 to index
      %swap3A_295 = arith.constant 16 : index
      %swap3A_296 = tpu.vector_load %arg7[%swap3A_294, %swap3A_295] {strides = array<i32>} : memref<128x128xf32, #tpu.memory_space<vmem>>, vector<16xf32>,
      tpu.vector_store %arg7[%swap3A_294, %swap3A_295], %get3A_293 {strides = array<i32>} : memref<128x128xf32, #tpu.memory_space<vmem>>, vector<16xf32>,
      %add3A_297 = arith.constant 1 : i32
      %add3A_298 = arith.addi %mul3A_282, %add3A_297 : i32
      %get3A_299 = arith.index_cast %add3A_298 : i32 to index
      %get3A_300 = arith.constant 0 : index
      %get3A_301 = tpu.vector_load %arg6[%get3A_299, %get3A_300] {strides = array<i32>} : memref<512x32xf32, #tpu.memory_space<vmem>>, vector<16xf32>,
      %swap3A_302 = arith.index_cast %scan3A_280 : i32 to index
      %swap3A_303 = arith.constant 32 : index
      %swap3A_304 = tpu.vector_load %arg7[%swap3A_302, %swap3A_303] {strides = array<i32>} : memref<128x128xf32, #tpu.memory_space<vmem>>, vector<16xf32>,
      tpu.vector_store %arg7[%swap3A_302, %swap3A_303], %get3A_301 {strides = array<i32>} : memref<128x128xf32, #tpu.memory_space<vmem>>, vector<16xf32>,
      %add3A_305 = arith.constant 1 : i32
      %add3A_306 = arith.addi %mul3A_282, %add3A_305 : i32
      %get3A_307 = arith.index_cast %add3A_306 : i32 to index
      %get3A_308 = arith.constant 16 : index
      %get3A_309 = tpu.vector_load %arg6[%get3A_307, %get3A_308] {strides = array<i32>} : memref<512x32xf32, #tpu.memory_space<vmem>>, vector<16xf32>,
      %swap3A_310 = arith.index_cast %scan3A_280 : i32 to index
      %swap3A_311 = arith.constant 48 : index
      %swap3A_312 = tpu.vector_load %arg7[%swap3A_310, %swap3A_311] {strides = array<i32>} : memref<128x128xf32, #tpu.memory_space<vmem>>, vector<16xf32>,
      tpu.vector_store %arg7[%swap3A_310, %swap3A_311], %get3A_309 {strides = array<i32>} : memref<128x128xf32, #tpu.memory_space<vmem>>, vector<16xf32>,
      %add3A_313 = arith.constant 2 : i32
      %add3A_314 = arith.addi %mul3A_282, %add3A_313 : i32
      %get3A_315 = arith.index_cast %add3A_314 : i32 to index
      %get3A_316 = arith.constant 0 : index
      %get3A_317 = tpu.vector_load %arg6[%get3A_315, %get3A_316] {strides = array<i32>} : memref<512x32xf32, #tpu.memory_space<vmem>>, vector<16xf32>,
      %swap3A_318 = arith.index_cast %scan3A_280 : i32 to index
      %swap3A_319 = arith.constant 64 : index
      %swap3A_320 = tpu.vector_load %arg7[%swap3A_318, %swap3A_319] {strides = array<i32>} : memref<128x128xf32, #tpu.memory_space<vmem>>, vector<16xf32>,
      tpu.vector_store %arg7[%swap3A_318, %swap3A_319], %get3A_317 {strides = array<i32>} : memref<128x128xf32, #tpu.memory_space<vmem>>, vector<16xf32>,
      %add3A_321 = arith.constant 2 : i32
      %add3A_322 = arith.addi %mul3A_282, %add3A_321 : i32
      %get3A_323 = arith.index_cast %add3A_322 : i32 to index
      %get3A_324 = arith.constant 16 : index
      %get3A_325 = tpu.vector_load %arg6[%get3A_323, %get3A_324] {strides = array<i32>} : memref<512x32xf32, #tpu.memory_space<vmem>>, vector<16xf32>,
      %swap3A_326 = arith.index_cast %scan3A_280 : i32 to index
      %swap3A_327 = arith.constant 80 : index
      %swap3A_328 = tpu.vector_load %arg7[%swap3A_326, %swap3A_327] {strides = array<i32>} : memref<128x128xf32, #tpu.memory_space<vmem>>, vector<16xf32>,
      tpu.vector_store %arg7[%swap3A_326, %swap3A_327], %get3A_325 {strides = array<i32>} : memref<128x128xf32, #tpu.memory_space<vmem>>, vector<16xf32>,
      %add3A_329 = arith.constant 3 : i32
      %add3A_330 = arith.addi %mul3A_282, %add3A_329 : i32
      %get3A_331 = arith.index_cast %add3A_330 : i32 to index
      %get3A_332 = arith.constant 0 : index
      %get3A_333 = tpu.vector_load %arg6[%get3A_331, %get3A_332] {strides = array<i32>} : memref<512x32xf32, #tpu.memory_space<vmem>>, vector<16xf32>,
      %swap3A_334 = arith.index_cast %scan3A_280 : i32 to index
      %swap3A_335 = arith.constant 96 : index
      %swap3A_336 = tpu.vector_load %arg7[%swap3A_334, %swap3A_335] {strides = array<i32>} : memref<128x128xf32, #tpu.memory_space<vmem>>, vector<16xf32>,
      tpu.vector_store %arg7[%swap3A_334, %swap3A_335], %get3A_333 {strides = array<i32>} : memref<128x128xf32, #tpu.memory_space<vmem>>, vector<16xf32>,
      %add3A_337 = arith.constant 3 : i32
      %add3A_338 = arith.addi %mul3A_282, %add3A_337 : i32
      %get3A_339 = arith.index_cast %add3A_338 : i32 to index
      %get3A_340 = arith.constant 16 : index
      %get3A_341 = tpu.vector_load %arg6[%get3A_339, %get3A_340] {strides = array<i32>} : memref<512x32xf32, #tpu.memory_space<vmem>>, vector<16xf32>,
      %swap3A_342 = arith.index_cast %scan3A_280 : i32 to index
      %swap3A_343 = arith.constant 112 : index
      %swap3A_344 = tpu.vector_load %arg7[%swap3A_342, %swap3A_343] {strides = array<i32>} : memref<128x128xf32, #tpu.memory_space<vmem>>, vector<16xf32>,
      tpu.vector_store %arg7[%swap3A_342, %swap3A_343], %get3A_341 {strides = array<i32>} : memref<128x128xf32, #tpu.memory_space<vmem>>, vector<16xf32>,
    }
    %scan3A_165 = arith.constant 32 : i32
    %mul3A_166 = arith.constant 128 : i32
    %mul3A_167 = arith.muli %add3A, %mul3A_166 : i32
    %add3A_168 = arith.constant 32 : i32
    %add3A_169 = arith.addi %mul3A_167, %add3A_168 : i32
    %dma_start3A_170 = arith.constant 32 : i32
    %dma_start3A_171 = arith.constant 0 : i32
    %dma_start3A_172 = tpu.memref_slice %arg7[%dma_start3A_170, %dma_start3A_171] : memref<128x128xf32, #tpu.memory_space<vmem>> -> memref<32x128xf32, #tpu.memory_space<vmem>>
    %dma_start3A_173 = arith.constant 0 : i32
    %dma_start3A_174 = tpu.memref_slice %arg4[%add3A_169, %dma_start3A_173] : memref<4096x128xf32, #tpu.memory_space<hbm>> -> memref<32x128xf32, #tpu.memory_space<hbm>>
    %dma_start3A_175 = arith.constant 0 : i32
    %dma_start3A_176 = tpu.memref_slice %arg4[%add3A_169, %dma_start3A_175] : memref<4096x128xf32, #tpu.memory_space<hbm>> -> memref<32x128xf32, #tpu.memory_space<hbm>>
    %dma_start3A_177 = arith.constant 32 : i32
    %dma_start3A_178 = arith.constant 0 : i32
    %dma_start3A_179 = tpu.memref_slice %arg7[%dma_start3A_177, %dma_start3A_178] : memref<128x128xf32, #tpu.memory_space<vmem>> -> memref<32x128xf32, #tpu.memory_space<vmem>>
    tpu.enqueue_dma source(%dma_start3A_179 : memref<32x128xf32, #tpu.memory_space<vmem>>) target(%dma_start3A_176 : memref<32x128xf32, #tpu.memory_space<hbm>>) target_semaphore(%arg10 : memref<!tpu.dma_semaphore, #tpu.memory_space<semaphore_mem>>)
    %dma_wait3A_180 = arith.constant 2 : i32
    %dma_wait3A_181 = arith.constant 256 : i32
    %dma_wait3A_182 = arith.constant 0 : i32
    %dma_wait3A_183 = tpu.memref_slice %arg6[%dma_wait3A_181, %dma_wait3A_182] : memref<512x32xf32, #tpu.memory_space<vmem>> -> memref<128x32xf32, #tpu.memory_space<vmem>>
    %dma_wait3A_184 = arith.constant 0 : i32
    %dma_wait3A_185 = tpu.memref_slice %arg5[%dma_wait3A_180, %dma_wait3A_184] : memref<4x128xi32, #tpu.memory_space<vmem>> -> memref<1x128xi32, #tpu.memory_space<vmem>>
    %dma_wait3A_186 = tpu.memref_squeeze %dma_wait3A_185 : memref<1x128xi32, #tpu.memory_space<vmem>> -> memref<128xi32, #tpu.memory_space<vmem>>
    %dma_wait3A_187 = arith.constant 0 : i32
    %dma_wait3A_188 = arith.constant 0 : i32
    %dma_wait3A_189 = tpu.memref_slice %arg2[%dma_wait3A_187, %dma_wait3A_188] : memref<100256x32xf32, #tpu.memory_space<hbm>> -> memref<100256x32xf32, #tpu.memory_space<hbm>>
    tpu.wait_indirect_dma semaphore(%arg9 : memref<!tpu.dma_semaphore, #tpu.memory_space<semaphore_mem>>) src(%dma_wait3A_189 : memref<100256x32xf32, #tpu.memory_space<hbm>>) dst(%dma_wait3A_183 : memref<128x32xf32, #tpu.memory_space<vmem>>)
    %scan3A_190 = arith.constant 0 : i32
    %scan3A_191 = arith.constant 64 : i32
    %scan3A_192 = arith.constant 32 : i32
    %scan3A_193 = arith.addi %scan3A_191, %scan3A_192 : i32
    %scan3A_194 = arith.constant 1 : i32
    scf.for %scan3A_280 = %scan3A_191 to %scan3A_193 step %scan3A_194  : i32 {
      %mul3A_281 = arith.constant 4 : i32
      %mul3A_282 = arith.muli %mul3A_281, %scan3A_280 : i32
      %add3A_283 = arith.constant 0 : i32
      %add3A_284 = arith.addi %mul3A_282, %add3A_283 : i32
      %get3A = arith.index_cast %add3A_284 : i32 to index
      %get3A_285 = arith.constant 0 : index
      %get3A_286 = tpu.vector_load %arg6[%get3A, %get3A_285] {strides = array<i32>} : memref<512x32xf32, #tpu.memory_space<vmem>>, vector<16xf32>,
      %swap3A = arith.index_cast %scan3A_280 : i32 to index
      %swap3A_287 = arith.constant 0 : index
      %swap3A_288 = tpu.vector_load %arg7[%swap3A, %swap3A_287] {strides = array<i32>} : memref<128x128xf32, #tpu.memory_space<vmem>>, vector<16xf32>,
      tpu.vector_store %arg7[%swap3A, %swap3A_287], %get3A_286 {strides = array<i32>} : memref<128x128xf32, #tpu.memory_space<vmem>>, vector<16xf32>,
      %add3A_289 = arith.constant 0 : i32
      %add3A_290 = arith.addi %mul3A_282, %add3A_289 : i32
      %get3A_291 = arith.index_cast %add3A_290 : i32 to index
      %get3A_292 = arith.constant 16 : index
      %get3A_293 = tpu.vector_load %arg6[%get3A_291, %get3A_292] {strides = array<i32>} : memref<512x32xf32, #tpu.memory_space<vmem>>, vector<16xf32>,
      %swap3A_294 = arith.index_cast %scan3A_280 : i32 to index
      %swap3A_295 = arith.constant 16 : index
      %swap3A_296 = tpu.vector_load %arg7[%swap3A_294, %swap3A_295] {strides = array<i32>} : memref<128x128xf32, #tpu.memory_space<vmem>>, vector<16xf32>,
      tpu.vector_store %arg7[%swap3A_294, %swap3A_295], %get3A_293 {strides = array<i32>} : memref<128x128xf32, #tpu.memory_space<vmem>>, vector<16xf32>,
      %add3A_297 = arith.constant 1 : i32
      %add3A_298 = arith.addi %mul3A_282, %add3A_297 : i32
      %get3A_299 = arith.index_cast %add3A_298 : i32 to index
      %get3A_300 = arith.constant 0 : index
      %get3A_301 = tpu.vector_load %arg6[%get3A_299, %get3A_300] {strides = array<i32>} : memref<512x32xf32, #tpu.memory_space<vmem>>, vector<16xf32>,
      %swap3A_302 = arith.index_cast %scan3A_280 : i32 to index
      %swap3A_303 = arith.constant 32 : index
      %swap3A_304 = tpu.vector_load %arg7[%swap3A_302, %swap3A_303] {strides = array<i32>} : memref<128x128xf32, #tpu.memory_space<vmem>>, vector<16xf32>,
      tpu.vector_store %arg7[%swap3A_302, %swap3A_303], %get3A_301 {strides = array<i32>} : memref<128x128xf32, #tpu.memory_space<vmem>>, vector<16xf32>,
      %add3A_305 = arith.constant 1 : i32
      %add3A_306 = arith.addi %mul3A_282, %add3A_305 : i32
      %get3A_307 = arith.index_cast %add3A_306 : i32 to index
      %get3A_308 = arith.constant 16 : index
      %get3A_309 = tpu.vector_load %arg6[%get3A_307, %get3A_308] {strides = array<i32>} : memref<512x32xf32, #tpu.memory_space<vmem>>, vector<16xf32>,
      %swap3A_310 = arith.index_cast %scan3A_280 : i32 to index
      %swap3A_311 = arith.constant 48 : index
      %swap3A_312 = tpu.vector_load %arg7[%swap3A_310, %swap3A_311] {strides = array<i32>} : memref<128x128xf32, #tpu.memory_space<vmem>>, vector<16xf32>,
      tpu.vector_store %arg7[%swap3A_310, %swap3A_311], %get3A_309 {strides = array<i32>} : memref<128x128xf32, #tpu.memory_space<vmem>>, vector<16xf32>,
      %add3A_313 = arith.constant 2 : i32
      %add3A_314 = arith.addi %mul3A_282, %add3A_313 : i32
      %get3A_315 = arith.index_cast %add3A_314 : i32 to index
      %get3A_316 = arith.constant 0 : index
      %get3A_317 = tpu.vector_load %arg6[%get3A_315, %get3A_316] {strides = array<i32>} : memref<512x32xf32, #tpu.memory_space<vmem>>, vector<16xf32>,
      %swap3A_318 = arith.index_cast %scan3A_280 : i32 to index
      %swap3A_319 = arith.constant 64 : index
      %swap3A_320 = tpu.vector_load %arg7[%swap3A_318, %swap3A_319] {strides = array<i32>} : memref<128x128xf32, #tpu.memory_space<vmem>>, vector<16xf32>,
      tpu.vector_store %arg7[%swap3A_318, %swap3A_319], %get3A_317 {strides = array<i32>} : memref<128x128xf32, #tpu.memory_space<vmem>>, vector<16xf32>,
      %add3A_321 = arith.constant 2 : i32
      %add3A_322 = arith.addi %mul3A_282, %add3A_321 : i32
      %get3A_323 = arith.index_cast %add3A_322 : i32 to index
      %get3A_324 = arith.constant 16 : index
      %get3A_325 = tpu.vector_load %arg6[%get3A_323, %get3A_324] {strides = array<i32>} : memref<512x32xf32, #tpu.memory_space<vmem>>, vector<16xf32>,
      %swap3A_326 = arith.index_cast %scan3A_280 : i32 to index
      %swap3A_327 = arith.constant 80 : index
      %swap3A_328 = tpu.vector_load %arg7[%swap3A_326, %swap3A_327] {strides = array<i32>} : memref<128x128xf32, #tpu.memory_space<vmem>>, vector<16xf32>,
      tpu.vector_store %arg7[%swap3A_326, %swap3A_327], %get3A_325 {strides = array<i32>} : memref<128x128xf32, #tpu.memory_space<vmem>>, vector<16xf32>,
      %add3A_329 = arith.constant 3 : i32
      %add3A_330 = arith.addi %mul3A_282, %add3A_329 : i32
      %get3A_331 = arith.index_cast %add3A_330 : i32 to index
      %get3A_332 = arith.constant 0 : index
      %get3A_333 = tpu.vector_load %arg6[%get3A_331, %get3A_332] {strides = array<i32>} : memref<512x32xf32, #tpu.memory_space<vmem>>, vector<16xf32>,
      %swap3A_334 = arith.index_cast %scan3A_280 : i32 to index
      %swap3A_335 = arith.constant 96 : index
      %swap3A_336 = tpu.vector_load %arg7[%swap3A_334, %swap3A_335] {strides = array<i32>} : memref<128x128xf32, #tpu.memory_space<vmem>>, vector<16xf32>,
      tpu.vector_store %arg7[%swap3A_334, %swap3A_335], %get3A_333 {strides = array<i32>} : memref<128x128xf32, #tpu.memory_space<vmem>>, vector<16xf32>,
      %add3A_337 = arith.constant 3 : i32
      %add3A_338 = arith.addi %mul3A_282, %add3A_337 : i32
      %get3A_339 = arith.index_cast %add3A_338 : i32 to index
      %get3A_340 = arith.constant 16 : index
      %get3A_341 = tpu.vector_load %arg6[%get3A_339, %get3A_340] {strides = array<i32>} : memref<512x32xf32, #tpu.memory_space<vmem>>, vector<16xf32>,
      %swap3A_342 = arith.index_cast %scan3A_280 : i32 to index
      %swap3A_343 = arith.constant 112 : index
      %swap3A_344 = tpu.vector_load %arg7[%swap3A_342, %swap3A_343] {strides = array<i32>} : memref<128x128xf32, #tpu.memory_space<vmem>>, vector<16xf32>,
      tpu.vector_store %arg7[%swap3A_342, %swap3A_343], %get3A_341 {strides = array<i32>} : memref<128x128xf32, #tpu.memory_space<vmem>>, vector<16xf32>,
    }
    %scan3A_195 = arith.constant 32 : i32
    %mul3A_196 = arith.constant 128 : i32
    %mul3A_197 = arith.muli %add3A, %mul3A_196 : i32
    %add3A_198 = arith.constant 64 : i32
    %add3A_199 = arith.addi %mul3A_197, %add3A_198 : i32
    %dma_start3A_200 = arith.constant 64 : i32
    %dma_start3A_201 = arith.constant 0 : i32
    %dma_start3A_202 = tpu.memref_slice %arg7[%dma_start3A_200, %dma_start3A_201] : memref<128x128xf32, #tpu.memory_space<vmem>> -> memref<32x128xf32, #tpu.memory_space<vmem>>
    %dma_start3A_203 = arith.constant 0 : i32
    %dma_start3A_204 = tpu.memref_slice %arg4[%add3A_199, %dma_start3A_203] : memref<4096x128xf32, #tpu.memory_space<hbm>> -> memref<32x128xf32, #tpu.memory_space<hbm>>
    %dma_start3A_205 = arith.constant 0 : i32
    %dma_start3A_206 = tpu.memref_slice %arg4[%add3A_199, %dma_start3A_205] : memref<4096x128xf32, #tpu.memory_space<hbm>> -> memref<32x128xf32, #tpu.memory_space<hbm>>
    %dma_start3A_207 = arith.constant 64 : i32
    %dma_start3A_208 = arith.constant 0 : i32
    %dma_start3A_209 = tpu.memref_slice %arg7[%dma_start3A_207, %dma_start3A_208] : memref<128x128xf32, #tpu.memory_space<vmem>> -> memref<32x128xf32, #tpu.memory_space<vmem>>
    tpu.enqueue_dma source(%dma_start3A_209 : memref<32x128xf32, #tpu.memory_space<vmem>>) target(%dma_start3A_206 : memref<32x128xf32, #tpu.memory_space<hbm>>) target_semaphore(%arg10 : memref<!tpu.dma_semaphore, #tpu.memory_space<semaphore_mem>>)
    %dma_wait3A_210 = arith.constant 3 : i32
    %dma_wait3A_211 = arith.constant 384 : i32
    %dma_wait3A_212 = arith.constant 0 : i32
    %dma_wait3A_213 = tpu.memref_slice %arg6[%dma_wait3A_211, %dma_wait3A_212] : memref<512x32xf32, #tpu.memory_space<vmem>> -> memref<128x32xf32, #tpu.memory_space<vmem>>
    %dma_wait3A_214 = arith.constant 0 : i32
    %dma_wait3A_215 = tpu.memref_slice %arg5[%dma_wait3A_210, %dma_wait3A_214] : memref<4x128xi32, #tpu.memory_space<vmem>> -> memref<1x128xi32, #tpu.memory_space<vmem>>
    %dma_wait3A_216 = tpu.memref_squeeze %dma_wait3A_215 : memref<1x128xi32, #tpu.memory_space<vmem>> -> memref<128xi32, #tpu.memory_space<vmem>>
    %dma_wait3A_217 = arith.constant 0 : i32
    %dma_wait3A_218 = arith.constant 0 : i32
    %dma_wait3A_219 = tpu.memref_slice %arg2[%dma_wait3A_217, %dma_wait3A_218] : memref<100256x32xf32, #tpu.memory_space<hbm>> -> memref<100256x32xf32, #tpu.memory_space<hbm>>
    tpu.wait_indirect_dma semaphore(%arg9 : memref<!tpu.dma_semaphore, #tpu.memory_space<semaphore_mem>>) src(%dma_wait3A_219 : memref<100256x32xf32, #tpu.memory_space<hbm>>) dst(%dma_wait3A_213 : memref<128x32xf32, #tpu.memory_space<vmem>>)
    %scan3A_220 = arith.constant 0 : i32
    %scan3A_221 = arith.constant 96 : i32
    %scan3A_222 = arith.constant 32 : i32
    %scan3A_223 = arith.addi %scan3A_221, %scan3A_222 : i32
    %scan3A_224 = arith.constant 1 : i32
    scf.for %scan3A_280 = %scan3A_221 to %scan3A_223 step %scan3A_224  : i32 {
      %mul3A_281 = arith.constant 4 : i32
      %mul3A_282 = arith.muli %mul3A_281, %scan3A_280 : i32
      %add3A_283 = arith.constant 0 : i32
      %add3A_284 = arith.addi %mul3A_282, %add3A_283 : i32
      %get3A = arith.index_cast %add3A_284 : i32 to index
      %get3A_285 = arith.constant 0 : index
      %get3A_286 = tpu.vector_load %arg6[%get3A, %get3A_285] {strides = array<i32>} : memref<512x32xf32, #tpu.memory_space<vmem>>, vector<16xf32>,
      %swap3A = arith.index_cast %scan3A_280 : i32 to index
      %swap3A_287 = arith.constant 0 : index
      %swap3A_288 = tpu.vector_load %arg7[%swap3A, %swap3A_287] {strides = array<i32>} : memref<128x128xf32, #tpu.memory_space<vmem>>, vector<16xf32>,
      tpu.vector_store %arg7[%swap3A, %swap3A_287], %get3A_286 {strides = array<i32>} : memref<128x128xf32, #tpu.memory_space<vmem>>, vector<16xf32>,
      %add3A_289 = arith.constant 0 : i32
      %add3A_290 = arith.addi %mul3A_282, %add3A_289 : i32
      %get3A_291 = arith.index_cast %add3A_290 : i32 to index
      %get3A_292 = arith.constant 16 : index
      %get3A_293 = tpu.vector_load %arg6[%get3A_291, %get3A_292] {strides = array<i32>} : memref<512x32xf32, #tpu.memory_space<vmem>>, vector<16xf32>,
      %swap3A_294 = arith.index_cast %scan3A_280 : i32 to index
      %swap3A_295 = arith.constant 16 : index
      %swap3A_296 = tpu.vector_load %arg7[%swap3A_294, %swap3A_295] {strides = array<i32>} : memref<128x128xf32, #tpu.memory_space<vmem>>, vector<16xf32>,
      tpu.vector_store %arg7[%swap3A_294, %swap3A_295], %get3A_293 {strides = array<i32>} : memref<128x128xf32, #tpu.memory_space<vmem>>, vector<16xf32>,
      %add3A_297 = arith.constant 1 : i32
      %add3A_298 = arith.addi %mul3A_282, %add3A_297 : i32
      %get3A_299 = arith.index_cast %add3A_298 : i32 to index
      %get3A_300 = arith.constant 0 : index
      %get3A_301 = tpu.vector_load %arg6[%get3A_299, %get3A_300] {strides = array<i32>} : memref<512x32xf32, #tpu.memory_space<vmem>>, vector<16xf32>,
      %swap3A_302 = arith.index_cast %scan3A_280 : i32 to index
      %swap3A_303 = arith.constant 32 : index
      %swap3A_304 = tpu.vector_load %arg7[%swap3A_302, %swap3A_303] {strides = array<i32>} : memref<128x128xf32, #tpu.memory_space<vmem>>, vector<16xf32>,
      tpu.vector_store %arg7[%swap3A_302, %swap3A_303], %get3A_301 {strides = array<i32>} : memref<128x128xf32, #tpu.memory_space<vmem>>, vector<16xf32>,
      %add3A_305 = arith.constant 1 : i32
      %add3A_306 = arith.addi %mul3A_282, %add3A_305 : i32
      %get3A_307 = arith.index_cast %add3A_306 : i32 to index
      %get3A_308 = arith.constant 16 : index
      %get3A_309 = tpu.vector_load %arg6[%get3A_307, %get3A_308] {strides = array<i32>} : memref<512x32xf32, #tpu.memory_space<vmem>>, vector<16xf32>,
      %swap3A_310 = arith.index_cast %scan3A_280 : i32 to index
      %swap3A_311 = arith.constant 48 : index
      %swap3A_312 = tpu.vector_load %arg7[%swap3A_310, %swap3A_311] {strides = array<i32>} : memref<128x128xf32, #tpu.memory_space<vmem>>, vector<16xf32>,
      tpu.vector_store %arg7[%swap3A_310, %swap3A_311], %get3A_309 {strides = array<i32>} : memref<128x128xf32, #tpu.memory_space<vmem>>, vector<16xf32>,
      %add3A_313 = arith.constant 2 : i32
      %add3A_314 = arith.addi %mul3A_282, %add3A_313 : i32
      %get3A_315 = arith.index_cast %add3A_314 : i32 to index
      %get3A_316 = arith.constant 0 : index
      %get3A_317 = tpu.vector_load %arg6[%get3A_315, %get3A_316] {strides = array<i32>} : memref<512x32xf32, #tpu.memory_space<vmem>>, vector<16xf32>,
      %swap3A_318 = arith.index_cast %scan3A_280 : i32 to index
      %swap3A_319 = arith.constant 64 : index
      %swap3A_320 = tpu.vector_load %arg7[%swap3A_318, %swap3A_319] {strides = array<i32>} : memref<128x128xf32, #tpu.memory_space<vmem>>, vector<16xf32>,
      tpu.vector_store %arg7[%swap3A_318, %swap3A_319], %get3A_317 {strides = array<i32>} : memref<128x128xf32, #tpu.memory_space<vmem>>, vector<16xf32>,
      %add3A_321 = arith.constant 2 : i32
      %add3A_322 = arith.addi %mul3A_282, %add3A_321 : i32
      %get3A_323 = arith.index_cast %add3A_322 : i32 to index
      %get3A_324 = arith.constant 16 : index
      %get3A_325 = tpu.vector_load %arg6[%get3A_323, %get3A_324] {strides = array<i32>} : memref<512x32xf32, #tpu.memory_space<vmem>>, vector<16xf32>,
      %swap3A_326 = arith.index_cast %scan3A_280 : i32 to index
      %swap3A_327 = arith.constant 80 : index
      %swap3A_328 = tpu.vector_load %arg7[%swap3A_326, %swap3A_327] {strides = array<i32>} : memref<128x128xf32, #tpu.memory_space<vmem>>, vector<16xf32>,
      tpu.vector_store %arg7[%swap3A_326, %swap3A_327], %get3A_325 {strides = array<i32>} : memref<128x128xf32, #tpu.memory_space<vmem>>, vector<16xf32>,
      %add3A_329 = arith.constant 3 : i32
      %add3A_330 = arith.addi %mul3A_282, %add3A_329 : i32
      %get3A_331 = arith.index_cast %add3A_330 : i32 to index
      %get3A_332 = arith.constant 0 : index
      %get3A_333 = tpu.vector_load %arg6[%get3A_331, %get3A_332] {strides = array<i32>} : memref<512x32xf32, #tpu.memory_space<vmem>>, vector<16xf32>,
      %swap3A_334 = arith.index_cast %scan3A_280 : i32 to index
      %swap3A_335 = arith.constant 96 : index
      %swap3A_336 = tpu.vector_load %arg7[%swap3A_334, %swap3A_335] {strides = array<i32>} : memref<128x128xf32, #tpu.memory_space<vmem>>, vector<16xf32>,
      tpu.vector_store %arg7[%swap3A_334, %swap3A_335], %get3A_333 {strides = array<i32>} : memref<128x128xf32, #tpu.memory_space<vmem>>, vector<16xf32>,
      %add3A_337 = arith.constant 3 : i32
      %add3A_338 = arith.addi %mul3A_282, %add3A_337 : i32
      %get3A_339 = arith.index_cast %add3A_338 : i32 to index
      %get3A_340 = arith.constant 16 : index
      %get3A_341 = tpu.vector_load %arg6[%get3A_339, %get3A_340] {strides = array<i32>} : memref<512x32xf32, #tpu.memory_space<vmem>>, vector<16xf32>,
      %swap3A_342 = arith.index_cast %scan3A_280 : i32 to index
      %swap3A_343 = arith.constant 112 : index
      %swap3A_344 = tpu.vector_load %arg7[%swap3A_342, %swap3A_343] {strides = array<i32>} : memref<128x128xf32, #tpu.memory_space<vmem>>, vector<16xf32>,
      tpu.vector_store %arg7[%swap3A_342, %swap3A_343], %get3A_341 {strides = array<i32>} : memref<128x128xf32, #tpu.memory_space<vmem>>, vector<16xf32>,
    }
    %scan3A_225 = arith.constant 32 : i32
    %mul3A_226 = arith.constant 128 : i32
    %mul3A_227 = arith.muli %add3A, %mul3A_226 : i32
    %add3A_228 = arith.constant 96 : i32
    %add3A_229 = arith.addi %mul3A_227, %add3A_228 : i32
    %dma_start3A_230 = arith.constant 96 : i32
    %dma_start3A_231 = arith.constant 0 : i32
    %dma_start3A_232 = tpu.memref_slice %arg7[%dma_start3A_230, %dma_start3A_231] : memref<128x128xf32, #tpu.memory_space<vmem>> -> memref<32x128xf32, #tpu.memory_space<vmem>>
    %dma_start3A_233 = arith.constant 0 : i32
    %dma_start3A_234 = tpu.memref_slice %arg4[%add3A_229, %dma_start3A_233] : memref<4096x128xf32, #tpu.memory_space<hbm>> -> memref<32x128xf32, #tpu.memory_space<hbm>>
    %dma_start3A_235 = arith.constant 0 : i32
    %dma_start3A_236 = tpu.memref_slice %arg4[%add3A_229, %dma_start3A_235] : memref<4096x128xf32, #tpu.memory_space<hbm>> -> memref<32x128xf32, #tpu.memory_space<hbm>>
    %dma_start3A_237 = arith.constant 96 : i32
    %dma_start3A_238 = arith.constant 0 : i32
    %dma_start3A_239 = tpu.memref_slice %arg7[%dma_start3A_237, %dma_start3A_238] : memref<128x128xf32, #tpu.memory_space<vmem>> -> memref<32x128xf32, #tpu.memory_space<vmem>>
    tpu.enqueue_dma source(%dma_start3A_239 : memref<32x128xf32, #tpu.memory_space<vmem>>) target(%dma_start3A_236 : memref<32x128xf32, #tpu.memory_space<hbm>>) target_semaphore(%arg10 : memref<!tpu.dma_semaphore, #tpu.memory_space<semaphore_mem>>)
    %dma_wait3A_240 = arith.constant 0 : i32
    %dma_wait3A_241 = arith.constant 0 : i32
    %dma_wait3A_242 = tpu.memref_slice %arg7[%dma_wait3A_240, %dma_wait3A_241] : memref<128x128xf32, #tpu.memory_space<vmem>> -> memref<32x128xf32, #tpu.memory_space<vmem>>
    %dma_wait3A_243 = arith.constant 0 : i32
    %dma_wait3A_244 = tpu.memref_slice %arg4[%add3A_139, %dma_wait3A_243] : memref<4096x128xf32, #tpu.memory_space<hbm>> -> memref<32x128xf32, #tpu.memory_space<hbm>>
    %dma_wait3A_245 = arith.constant 0 : i32
    %dma_wait3A_246 = tpu.memref_slice %arg4[%add3A_139, %dma_wait3A_245] : memref<4096x128xf32, #tpu.memory_space<hbm>> -> memref<32x128xf32, #tpu.memory_space<hbm>>
    %dma_wait3A_247 = arith.constant 0 : i32
    %dma_wait3A_248 = arith.constant 0 : i32
    %dma_wait3A_249 = tpu.memref_slice %arg7[%dma_wait3A_247, %dma_wait3A_248] : memref<128x128xf32, #tpu.memory_space<vmem>> -> memref<32x128xf32, #tpu.memory_space<vmem>>
    tpu.wait_dma2 semaphore(%arg10 : memref<!tpu.dma_semaphore, #tpu.memory_space<semaphore_mem>>) src(%dma_wait3A_249 : memref<32x128xf32, #tpu.memory_space<vmem>>) dst(%dma_wait3A_246 : memref<32x128xf32, #tpu.memory_space<hbm>>)
    %dma_wait3A_250 = arith.constant 32 : i32
    %dma_wait3A_251 = arith.constant 0 : i32
    %dma_wait3A_252 = tpu.memref_slice %arg7[%dma_wait3A_250, %dma_wait3A_251] : memref<128x128xf32, #tpu.memory_space<vmem>> -> memref<32x128xf32, #tpu.memory_space<vmem>>
    %dma_wait3A_253 = arith.constant 0 : i32
    %dma_wait3A_254 = tpu.memref_slice %arg4[%add3A_169, %dma_wait3A_253] : memref<4096x128xf32, #tpu.memory_space<hbm>> -> memref<32x128xf32, #tpu.memory_space<hbm>>
    %dma_wait3A_255 = arith.constant 0 : i32
    %dma_wait3A_256 = tpu.memref_slice %arg4[%add3A_169, %dma_wait3A_255] : memref<4096x128xf32, #tpu.memory_space<hbm>> -> memref<32x128xf32, #tpu.memory_space<hbm>>
    %dma_wait3A_257 = arith.constant 32 : i32
    %dma_wait3A_258 = arith.constant 0 : i32
    %dma_wait3A_259 = tpu.memref_slice %arg7[%dma_wait3A_257, %dma_wait3A_258] : memref<128x128xf32, #tpu.memory_space<vmem>> -> memref<32x128xf32, #tpu.memory_space<vmem>>
    tpu.wait_dma2 semaphore(%arg10 : memref<!tpu.dma_semaphore, #tpu.memory_space<semaphore_mem>>) src(%dma_wait3A_259 : memref<32x128xf32, #tpu.memory_space<vmem>>) dst(%dma_wait3A_256 : memref<32x128xf32, #tpu.memory_space<hbm>>)
    %dma_wait3A_260 = arith.constant 64 : i32
    %dma_wait3A_261 = arith.constant 0 : i32
    %dma_wait3A_262 = tpu.memref_slice %arg7[%dma_wait3A_260, %dma_wait3A_261] : memref<128x128xf32, #tpu.memory_space<vmem>> -> memref<32x128xf32, #tpu.memory_space<vmem>>
    %dma_wait3A_263 = arith.constant 0 : i32
    %dma_wait3A_264 = tpu.memref_slice %arg4[%add3A_199, %dma_wait3A_263] : memref<4096x128xf32, #tpu.memory_space<hbm>> -> memref<32x128xf32, #tpu.memory_space<hbm>>
    %dma_wait3A_265 = arith.constant 0 : i32
    %dma_wait3A_266 = tpu.memref_slice %arg4[%add3A_199, %dma_wait3A_265] : memref<4096x128xf32, #tpu.memory_space<hbm>> -> memref<32x128xf32, #tpu.memory_space<hbm>>
    %dma_wait3A_267 = arith.constant 64 : i32
    %dma_wait3A_268 = arith.constant 0 : i32
    %dma_wait3A_269 = tpu.memref_slice %arg7[%dma_wait3A_267, %dma_wait3A_268] : memref<128x128xf32, #tpu.memory_space<vmem>> -> memref<32x128xf32, #tpu.memory_space<vmem>>
    tpu.wait_dma2 semaphore(%arg10 : memref<!tpu.dma_semaphore, #tpu.memory_space<semaphore_mem>>) src(%dma_wait3A_269 : memref<32x128xf32, #tpu.memory_space<vmem>>) dst(%dma_wait3A_266 : memref<32x128xf32, #tpu.memory_space<hbm>>)
    %dma_wait3A_270 = arith.constant 96 : i32
    %dma_wait3A_271 = arith.constant 0 : i32
    %dma_wait3A_272 = tpu.memref_slice %arg7[%dma_wait3A_270, %dma_wait3A_271] : memref<128x128xf32, #tpu.memory_space<vmem>> -> memref<32x128xf32, #tpu.memory_space<vmem>>
    %dma_wait3A_273 = arith.constant 0 : i32
    %dma_wait3A_274 = tpu.memref_slice %arg4[%add3A_229, %dma_wait3A_273] : memref<4096x128xf32, #tpu.memory_space<hbm>> -> memref<32x128xf32, #tpu.memory_space<hbm>>
    %dma_wait3A_275 = arith.constant 0 : i32
    %dma_wait3A_276 = tpu.memref_slice %arg4[%add3A_229, %dma_wait3A_275] : memref<4096x128xf32, #tpu.memory_space<hbm>> -> memref<32x128xf32, #tpu.memory_space<hbm>>
    %dma_wait3A_277 = arith.constant 96 : i32
    %dma_wait3A_278 = arith.constant 0 : i32
    %dma_wait3A_279 = tpu.memref_slice %arg7[%dma_wait3A_277, %dma_wait3A_278] : memref<128x128xf32, #tpu.memory_space<vmem>> -> memref<32x128xf32, #tpu.memory_space<vmem>>
    tpu.wait_dma2 semaphore(%arg10 : memref<!tpu.dma_semaphore, #tpu.memory_space<semaphore_mem>>) src(%dma_wait3A_279 : memref<32x128xf32, #tpu.memory_space<vmem>>) dst(%dma_wait3A_276 : memref<32x128xf32, #tpu.memory_space<hbm>>)
    return
  }
}

module attributes {stable_mosaic.version = 14 : i64} {
  func.func @body(%arg0: i32, %arg1: memref<512x128xf32, #tpu.memory_space<vmem>>, %arg2: memref<1x128xf32, #tpu.memory_space<vmem>>, %arg3: memref<1x128xf32, #tpu.memory_space<vmem>>, %arg4: memref<1x128xf32, #tpu.memory_space<vmem>>, %arg5: memref<512x128xf32, #tpu.memory_space<vmem>>) attributes {dimension_semantics = [#tpu.dimension_semantics<arbitrary>], iteration_bounds = array<i64: 8>, scalar_prefetch = 0 : i64, scratch_operands = 0 : i64, tpu.core_type = #tpu.core_type<tc>, window_params = [{transform_indices = @transform_0, window_bounds = array<i64: 512, 128>}, {pipeline_mode = #tpu.pipeline_mode<synchronous>, transform_indices = @transform_1, window_bounds = array<i64: 1, 128>}, {pipeline_mode = #tpu.pipeline_mode<synchronous>, transform_indices = @transform_2, window_bounds = array<i64: 1, 128>}, {pipeline_mode = #tpu.pipeline_mode<synchronous>, transform_indices = @transform_3, window_bounds = array<i64: 1, 128>}, {transform_indices = @transform_4, window_bounds = array<i64: 512, 128>}]} {
    %iota3A = tpu.iota {dimensions = array<i32: 0>} : vector<128x128xi32>
    %iota3A_0 = tpu.iota {dimensions = array<i32: 1>} : vector<128x128xi32>
    %jit3A = arith.constant 32 : i32
    %div3A = vector.broadcast %jit3A : i32 to vector<128x128xi32>
    %div3A_1 = arith.divsi %iota3A, %div3A : vector<128x128xi32>
    %sign3A = arith.constant 0 : i32
    %sign3A_2 = vector.broadcast %sign3A : i32 to vector<128x128xi32>
    %sign3A_3 = arith.cmpi sgt, %iota3A, %sign3A_2 : vector<128x128xi32>
    %sign3A_4 = arith.extui %sign3A_3 : vector<128x128xi1> to vector<128x128xi32>
    %sign3A_5 = arith.constant 0 : i32
    %sign3A_6 = vector.broadcast %sign3A_5 : i32 to vector<128x128xi32>
    %sign3A_7 = arith.cmpi slt, %iota3A, %sign3A_6 : vector<128x128xi32>
    %sign3A_8 = arith.extui %sign3A_7 : vector<128x128xi1> to vector<128x128xi32>
    %sign3A_9 = arith.subi %sign3A_4, %sign3A_8 : vector<128x128xi32>
    %sign3A_10 = arith.constant 0 : i32
    %sign3A_11 = arith.cmpi sgt, %jit3A, %sign3A_10 : i32
    %sign3A_12 = arith.extui %sign3A_11 : i1 to i32
    %sign3A_13 = arith.constant 0 : i32
    %sign3A_14 = arith.cmpi slt, %jit3A, %sign3A_13 : i32
    %sign3A_15 = arith.extui %sign3A_14 : i1 to i32
    %sign3A_16 = arith.subi %sign3A_12, %sign3A_15 : i32
    %ne3A = vector.broadcast %sign3A_16 : i32 to vector<128x128xi32>
    %ne3A_17 = arith.cmpi ne, %sign3A_9, %ne3A : vector<128x128xi32>
    %rem3A = vector.broadcast %jit3A : i32 to vector<128x128xi32>
    %rem3A_18 = arith.remsi %iota3A, %rem3A : vector<128x128xi32>
    %ne3A_19 = arith.constant 0 : i32
    %ne3A_20 = vector.broadcast %ne3A_19 : i32 to vector<128x128xi32>
    %ne3A_21 = arith.cmpi ne, %rem3A_18, %ne3A_20 : vector<128x128xi32>
    %and3A = arith.andi %ne3A_17, %ne3A_21 : vector<128x128xi1>
    %sub3A = arith.constant 1 : i32
    %sub3A_22 = vector.broadcast %sub3A : i32 to vector<128x128xi32>
    %sub3A_23 = arith.subi %div3A_1, %sub3A_22 : vector<128x128xi32>
    %select_n3A = arith.select %and3A, %sub3A_23, %div3A_1 : vector<128x128xi1>, vector<128x128xi32>
    %jit3A_24 = arith.constant 32 : i32
    %div3A_25 = vector.broadcast %jit3A_24 : i32 to vector<128x128xi32>
    %div3A_26 = arith.divsi %iota3A_0, %div3A_25 : vector<128x128xi32>
    %sign3A_27 = arith.constant 0 : i32
    %sign3A_28 = vector.broadcast %sign3A_27 : i32 to vector<128x128xi32>
    %sign3A_29 = arith.cmpi sgt, %iota3A_0, %sign3A_28 : vector<128x128xi32>
    %sign3A_30 = arith.extui %sign3A_29 : vector<128x128xi1> to vector<128x128xi32>
    %sign3A_31 = arith.constant 0 : i32
    %sign3A_32 = vector.broadcast %sign3A_31 : i32 to vector<128x128xi32>
    %sign3A_33 = arith.cmpi slt, %iota3A_0, %sign3A_32 : vector<128x128xi32>
    %sign3A_34 = arith.extui %sign3A_33 : vector<128x128xi1> to vector<128x128xi32>
    %sign3A_35 = arith.subi %sign3A_30, %sign3A_34 : vector<128x128xi32>
    %sign3A_36 = arith.constant 0 : i32
    %sign3A_37 = arith.cmpi sgt, %jit3A_24, %sign3A_36 : i32
    %sign3A_38 = arith.extui %sign3A_37 : i1 to i32
    %sign3A_39 = arith.constant 0 : i32
    %sign3A_40 = arith.cmpi slt, %jit3A_24, %sign3A_39 : i32
    %sign3A_41 = arith.extui %sign3A_40 : i1 to i32
    %sign3A_42 = arith.subi %sign3A_38, %sign3A_41 : i32
    %ne3A_43 = vector.broadcast %sign3A_42 : i32 to vector<128x128xi32>
    %ne3A_44 = arith.cmpi ne, %sign3A_35, %ne3A_43 : vector<128x128xi32>
    %rem3A_45 = vector.broadcast %jit3A_24 : i32 to vector<128x128xi32>
    %rem3A_46 = arith.remsi %iota3A_0, %rem3A_45 : vector<128x128xi32>
    %ne3A_47 = arith.constant 0 : i32
    %ne3A_48 = vector.broadcast %ne3A_47 : i32 to vector<128x128xi32>
    %ne3A_49 = arith.cmpi ne, %rem3A_46, %ne3A_48 : vector<128x128xi32>
    %and3A_50 = arith.andi %ne3A_44, %ne3A_49 : vector<128x128xi1>
    %sub3A_51 = arith.constant 1 : i32
    %sub3A_52 = vector.broadcast %sub3A_51 : i32 to vector<128x128xi32>
    %sub3A_53 = arith.subi %div3A_26, %sub3A_52 : vector<128x128xi32>
    %select_n3A_54 = arith.select %and3A_50, %sub3A_53, %div3A_26 : vector<128x128xi1>, vector<128x128xi32>
    %eq3A = arith.cmpi eq, %select_n3A, %select_n3A_54 : vector<128x128xi32>
    %jit3A_55 = arith.constant 3.125000e-02 : f32
    %jit3A_56 = arith.constant 0.000000e+00 : f32
    %broadcast_in_dim3A = vector.broadcast %jit3A_55 : f32 to vector<128x128xf32>
    %broadcast_in_dim3A_57 = vector.broadcast %jit3A_56 : f32 to vector<128x128xf32>
    %select_n3A_58 = arith.select %eq3A, %broadcast_in_dim3A, %broadcast_in_dim3A_57 : vector<128x128xi1>, vector<128x128xf32>
    %get3A = arith.constant 0 : index
    %get3A_59 = arith.constant 0 : index
    %get3A_60 = vector.load %arg1[%get3A, %get3A_59] : memref<512x128xf32, #tpu.memory_space<vmem>>, vector<512x128xf32>
    %get3A_61 = arith.constant 0 : index
    %get3A_62 = arith.constant 0 : index
    %get3A_63 = vector.load %arg2[%get3A_61, %get3A_62] : memref<1x128xf32, #tpu.memory_space<vmem>>, vector<1x128xf32>
    %get3A_64 = vector.shape_cast %get3A_63 : vector<1x128xf32> to vector<128xf32>
    %broadcast_in_dim3A_65 = vector.shape_cast %get3A_64 : vector<128xf32> to vector<1x128xf32>
    %add3A = vector.broadcast %broadcast_in_dim3A_65 : vector<1x128xf32> to vector<512x128xf32>
    %add3A_66 = arith.addf %get3A_60, %add3A : vector<512x128xf32>
    %dot_general3A = arith.constant dense<0.000000e+00> : vector<512x128xf32>
    %dot_general3A_67 = tpu.matmul %add3A_66, %select_n3A_58, %dot_general3A {dimension_numbers = #tpu.dot_dimension_numbers<[1], [0], [0], [1], [0, 0, 1, 1], [], []>, transpose_lhs_hint = false} : vector<512x128xf32>, vector<128x128xf32>, vector<512x128xf32> -> vector<512x128xf32>
    %sub3A_68 = arith.subf %add3A_66, %dot_general3A_67 : vector<512x128xf32>
    %mul3A = arith.mulf %sub3A_68, %sub3A_68 : vector<512x128xf32>
    %dot_general3A_69 = arith.constant dense<0.000000e+00> : vector<512x128xf32>
    %dot_general3A_70 = tpu.matmul %mul3A, %select_n3A_58, %dot_general3A_69 {dimension_numbers = #tpu.dot_dimension_numbers<[1], [0], [0], [1], [0, 0, 1, 1], [], []>, transpose_lhs_hint = false} : vector<512x128xf32>, vector<128x128xf32>, vector<512x128xf32> -> vector<512x128xf32>
    %add3A_71 = arith.constant 9.99999974E-6 : f32
    %add3A_72 = vector.broadcast %add3A_71 : f32 to vector<512x128xf32>
    %add3A_73 = arith.addf %dot_general3A_70, %add3A_72 : vector<512x128xf32>
    %rsqrt3A = math.rsqrt %add3A_73 : vector<512x128xf32>
    %mul3A_74 = arith.mulf %sub3A_68, %rsqrt3A : vector<512x128xf32>
    %get3A_75 = arith.constant 0 : index
    %get3A_76 = arith.constant 0 : index
    %get3A_77 = vector.load %arg3[%get3A_75, %get3A_76] : memref<1x128xf32, #tpu.memory_space<vmem>>, vector<1x128xf32>
    %get3A_78 = vector.shape_cast %get3A_77 : vector<1x128xf32> to vector<128xf32>
    %broadcast_in_dim3A_79 = vector.shape_cast %get3A_78 : vector<128xf32> to vector<1x128xf32>
    %mul3A_80 = vector.broadcast %broadcast_in_dim3A_79 : vector<1x128xf32> to vector<512x128xf32>
    %mul3A_81 = arith.mulf %mul3A_74, %mul3A_80 : vector<512x128xf32>
    %get3A_82 = arith.constant 0 : index
    %get3A_83 = arith.constant 0 : index
    %get3A_84 = vector.load %arg4[%get3A_82, %get3A_83] : memref<1x128xf32, #tpu.memory_space<vmem>>, vector<1x128xf32>
    %get3A_85 = vector.shape_cast %get3A_84 : vector<1x128xf32> to vector<128xf32>
    %broadcast_in_dim3A_86 = vector.shape_cast %get3A_85 : vector<128xf32> to vector<1x128xf32>
    %add3A_87 = vector.broadcast %broadcast_in_dim3A_86 : vector<1x128xf32> to vector<512x128xf32>
    %add3A_88 = arith.addf %mul3A_81, %add3A_87 : vector<512x128xf32>
    %swap3A = arith.constant 0 : index
    %swap3A_89 = arith.constant 0 : index
    %swap3A_90 = vector.load %arg5[%swap3A, %swap3A_89] : memref<512x128xf32, #tpu.memory_space<vmem>>, vector<512x128xf32>
    tpu.vector_store %arg5[%swap3A, %swap3A_89], %add3A_88 {strides = array<i32>} : memref<512x128xf32, #tpu.memory_space<vmem>>, vector<512x128xf32>,
    return
  }
  func.func @transform_0(%arg0: i32) -> (i32, i32) {
    %c0_i32 = arith.constant 0 : i32
    %c0_i32_0 = arith.constant 0 : i32
    return %arg0, %c0_i32 : i32, i32
  }
  func.func @transform_1(%arg0: i32) -> (i32, i32) {
    %c0_i32 = arith.constant 0 : i32
    %c0_i32_0 = arith.constant 0 : i32
    %c0_i32_1 = arith.constant 0 : i32
    return %c0_i32, %c0_i32_0 : i32, i32
  }
  func.func @transform_2(%arg0: i32) -> (i32, i32) {
    %c0_i32 = arith.constant 0 : i32
    %c0_i32_0 = arith.constant 0 : i32
    %c0_i32_1 = arith.constant 0 : i32
    return %c0_i32, %c0_i32_0 : i32, i32
  }
  func.func @transform_3(%arg0: i32) -> (i32, i32) {
    %c0_i32 = arith.constant 0 : i32
    %c0_i32_0 = arith.constant 0 : i32
    %c0_i32_1 = arith.constant 0 : i32
    return %c0_i32, %c0_i32_0 : i32, i32
  }
  func.func @transform_4(%arg0: i32) -> (i32, i32) {
    %c0_i32 = arith.constant 0 : i32
    %c0_i32_0 = arith.constant 0 : i32
    return %arg0, %c0_i32 : i32, i32
  }
}

</mosaic_0001>

<sc_bundles>
// kernel: kernel.4.cloned.1.call-start
scs
__scs_entry_jumppad:
0x0: {  	(pc) =	sbr.rel $0x88, $3  }
0x1: {  	(tag) =	ssettag $0x0;
	lr =	simm.s32 $0x1  }
0x2: {  	[smem:$0x3F9C] =	sst lr;
	_ =	strace $0xD0000000  }
0x3: {  	_ = 	snop  }
0x4: {  	_ = 	snop  }
0x5: {  	_ = 	snop  }
0x6: {  	_ = 	snop  }
0x7: {  	_ = 	snop  }
__scs_overlays_trampoline_lowered:
0x8: {  	[smem:$0x3FAB] =	sst s0  }
0x9: {  	[smem:$0x3FAC] =	sst s1  }
0xa: {  	[smem:$0x3FAD] =	sst s2  }
0xb: {  	[smem:$0x3FAE] =	sst s3  }
0xc: {  	[smem:$0x3FAF] =	sst s4  }
0xd: {  	[smem:$0x3FB0] =	sst s5  }
0xe: {  	[smem:$0x3FB1] =	sst s6  }
0xf: {  	[smem:$0x3FB2] =	sst s7  }
0x10: {  	[smem:$0x3FB3] =	sst s8  }
0x11: {  	[smem:$0x3FB4] =	sst s9;
	s0 =	simm.s32 @!p0 $0x0  }
0x12: {  	s1 =	sld [smem:$0x3F9A];
	s0 =	simm.s32 @p0 $0x1  }
0x13: {  	[smem:$0x3FB5] =	sst s0;
	s0 =	simm.s32 @!p1 $0x0  }
0x14: {  	s2 =	sld [smem:$0x3F99];
	s0 =	simm.s32 @p1 $0x1  }
0x15: {  	[smem:$0x3FB6] =	sst s0;
	s0 =	simm.s32 @!p2 $0x0  }
0x16: {  	s3 =	sld [smem:$0x3FDB];
	s0 =	simm.s32 @p2 $0x1  }
0x17: {  	s4 =	simm.s32 $0x1BF5;
	[smem:$0x3FB8] =	sst s0  }
0x18: {  	s0 =	sld [smem:$0x3F9B];
	_ =	swait.ge [sflag:s4], $0x0  }
0x19: {  	s7 =	sld [smem:$0x3F9C]  }
0x1a: {  	s8 =	sadd.s32 $0xFFFFE003, lr  }
0x1b: {  	s9 =	sadd.s32 $0xFFFFFEF7, lr;
	s5 =	simm.s32 $0xFFFFFFFF;
	p2 =	slt.u32 s8, $0xFFFFF086  }
0x1c: {  	p1 =	slt.u32 s9, $0xF7A;
	s5 =	simm.s32 @!p2 $0x0  }
0x1d: {  	s5 =	simm.s32 @p1 $0x1;
	p0 =	seq.s32 s7, s2  }
0x1e: {  	s7 =	smul.u32 @!p0 $0xF7A, s2;
	p2 =	seq.s32 @!p0 s5, $0x0  }
0x1f: {  	s9 =	smul.u32 $0xF7A, s1;
	s8 =	simm.s32 @!p0 $0x1BF5;
	p2 =	por !p2, p0  }
0x20: {  	[sflag:s8] =	ssyncset.s32 @!p0 $0xFFFFF086;
	s6 =	sadd.s32 @!p0 s3, s7;
	s7 =	simm.s32 @!p0 $0x108  }
0x21: {  	s3 =	sadd.s32 s3, s9;
	s6 =	sadd.s32 @!p0 $0x88, s6;
	s7 =	simm.s32 @p2 $0x1082  }
0x22: {  	[simem:s7], [sflag:s8] =	dma.local @!p0 [hbm:s6], $0xF7A  }
0x23: {  	s9 =	sor.u32 $0xD0000000, s2;
	s6 =	simm.s32 $0x108;
	_ =	swait.ge @!p0 [sflag:s8], $0x0  }
0x24: {  	s3 =	sadd.s32 $0x88, s3;
	s6 =	simm.s32 @!p1 $0x1082;
	[sflag:s4] =	ssyncset.s32 $0xFFFFF086  }
0x25: {  	[simem:s6], [sflag:s4] =	dma.local [hbm:s3], $0xF7A  }
0x26: {  	[smem:$0x3F9C] =	sst s1;
	(tag) =	ssettag s2;
	_ =	strace s9  }
0x27: {  	s1 =	sld [smem:$0x3FAC]  }
0x28: {  	s2 =	sld [smem:$0x3FAD]  }
0x29: {  	s4 =	sld [smem:$0x3FAF]  }
0x2a: {  	p0 =	seq.s32 s5, $0x0;
	s5 =	sld [smem:$0x3FB0]  }
0x2b: {  	s6 =	sld [smem:$0x3FB1]  }
0x2c: {  	s7 =	sld [smem:$0x3FB2]  }
0x2d: {  	s3 =	simm.s32 $0x108;
	s8 =	sld [smem:$0x3FB3]  }
0x2e: {  	s3 =	simm.s32 @!p0 $0x1082;
	s9 =	sld [smem:$0x3FB4]  }
0x2f: {  	lr =	sadd.s32 s0, s3;
	s0 =	sld [smem:$0x3FAB]  }
0x30: {  	s3 =	sld [smem:$0x3FAE]  }
0x31: {  	[smem:$0x3FB7] =	sst s10  }
0x32: {  	s10 =	sld [smem:$0x3FB5];
	_ =	sdelay $0x3  }
0x33: {  	p0 =	seq.s32 s10, $0x1;
	s10 =	sld [smem:$0x3FB7];
	_ =	sdelay $0x3  }
0x34: {  	[smem:$0x3FB7] =	sst s10  }
0x35: {  	s10 =	sld [smem:$0x3FB6];
	_ =	sdelay $0x3  }
0x36: {  	p1 =	seq.s32 s10, $0x1;
	s10 =	sld [smem:$0x3FB7];
	_ =	sdelay $0x3  }
0x37: {  	[smem:$0x3FB7] =	sst s10  }
0x38: {  	s10 =	sld [smem:$0x3FB8]  }
0x39: {  	_ = 	snop;
	(pc) =	sbr.ind lr, $3  }
0x3a: {  	_ = 	snop  }
0x3b: {  	_ = 	snop  }
0x3c: {  	p2 =	seq.s32 s10, $0x1;
	s10 =	sld [smem:$0x3FB7]  }
0x3d: {  	_ =	shalt  }
0x3e: {  	_ =	shalt  }
0x3f: {  	_ =	shalt  }
0x40: {  	_ =	shalt  }
0x41: {  	_ =	shalt  }
0x42: {  	_ =	shalt  }
0x43: {  	_ =	shalt  }
0x44: {  	_ =	shalt  }
0x45: {  	_ =	shalt  }
0x46: {  	_ =	shalt  }
0x47: {  	_ =	shalt  }
0x48: {  	_ =	shalt  }
0x49: {  	_ =	shalt  }
0x4a: {  	_ =	shalt  }
0x4b: {  	_ =	shalt  }
0x4c: {  	_ =	shalt  }
0x4d: {  	_ =	shalt  }
0x4e: {  	_ =	shalt  }
0x4f: {  	_ =	shalt  }
0x50: {  	_ =	shalt  }
0x51: {  	_ =	shalt  }
0x52: {  	_ =	shalt  }
0x53: {  	_ =	shalt  }
0x54: {  	_ =	shalt  }
0x55: {  	_ =	shalt  }
0x56: {  	_ =	shalt  }
0x57: {  	_ =	shalt  }
0x58: {  	_ =	shalt  }
0x59: {  	_ =	shalt  }
0x5a: {  	_ =	shalt  }
0x5b: {  	_ =	shalt  }
0x5c: {  	_ =	shalt  }
0x5d: {  	_ =	shalt  }
0x5e: {  	_ =	shalt  }
0x5f: {  	_ =	shalt  }
0x60: {  	_ =	shalt  }
0x61: {  	_ =	shalt  }
0x62: {  	_ =	shalt  }
0x63: {  	_ =	shalt  }
0x64: {  	_ =	shalt  }
0x65: {  	_ =	shalt  }
0x66: {  	_ =	shalt  }
0x67: {  	_ =	shalt  }
0x68: {  	_ =	shalt  }
0x69: {  	_ =	shalt  }
0x6a: {  	_ =	shalt  }
0x6b: {  	_ =	shalt  }
0x6c: {  	_ =	shalt  }
0x6d: {  	_ =	shalt  }
0x6e: {  	_ =	shalt  }
0x6f: {  	_ =	shalt  }
0x70: {  	_ =	shalt  }
0x71: {  	_ =	shalt  }
0x72: {  	_ =	shalt  }
0x73: {  	_ =	shalt  }
0x74: {  	_ =	shalt  }
0x75: {  	_ =	shalt  }
0x76: {  	_ =	shalt  }
0x77: {  	_ =	shalt  }
0x78: {  	_ =	shalt  }
0x79: {  	_ =	shalt  }
0x7a: {  	_ =	shalt  }
0x7b: {  	_ =	shalt  }
0x7c: {  	_ =	shalt  }
0x7d: {  	_ =	shalt  }
0x7e: {  	_ =	shalt  }
0x7f: {  	_ =	shalt  }
0x80: {  	_ =	shalt  }
0x81: {  	_ =	shalt  }
0x82: {  	_ =	shalt  }
0x83: {  	_ =	shalt  }
0x84: {  	_ =	shalt  }
0x85: {  	_ =	shalt  }
0x86: {  	_ =	shalt  }
0x87: {  	_ =	shalt  }
.Lfunc_end0:
.L_simem_size_0:
called_computation_lowered:
.L_overlay_start_0:
0x88: {  	s2 =	sld [smem:$0x3FD9]  }
0x89: {  	s3 =	sld [smem:$0x3FFE];
	_ =	sdelay $0x1  }
0x8a: {  	s1 =	srdreg.scid  }
0x8b: {  	s0 =	sand.u32 $0x1, s1  }
0x8c: {  	s17 =	sshll.u32 s0, $0xA;
	s2 =	sadd.s32 s3, s2  }
0x8d: {  	s2 =	sadd.s32 s2, s17  }
0x8e: {  	[smem:$0x3FC3] =	sst s2  }
0x8f: {  	_ = 	snop  }
0x90: {  	s2 =	sld [smem:$0x3FC9]  }
0x91: {  	s18 =	sld [smem:$0x3FD0];
	(tm) =	ssettm $0x1  }
0x92: {  	s4 =	sld [smem:$0x3FFB];
	_ =	sdelay $0x3  }
0x93: {  	_ =	strace s4  }
0x94: {  	s4 =	sld [smem:$0x3FFC];
	_ =	sdelay $0x3  }
0x95: {  	_ =	strace s4  }
0x96: {  	s4 =	sld [smem:$0x3FFD];
	_ =	sdelay $0x3  }
0x97: {  	_ =	strace s4  }
0x98: {  	_ =	strace $0x8FFFFFFF  }
0x99: {  	s19 =	sld [smem:$0x3FDB];
	_ =	sdelay $0x1  }
0x9a: {  	s5 =	simm.s32 $_scs_section_size  }
0x9b: {  	s6 =	simm.s32 $_size__tile_overlayer_lowered;
	s7 =	simm.s32 $_tile_overlayer_lowered  }
0x9c: {  	s22 =	simm.s32 $0x1BFF;
	s21 =	sshll.u32 s7, $0x1;
	s4 =	sadd.s32 s5, s19  }
0x9d: {  	s8 =	simm.s32 $0x0;
	s20 =	sshll.u32 s6, $0x1;
	s6 =	sadd.s32 s21, s4  }
0x9e: {  	[timem:s8], [sflag:s22] =	dma.local [hbm:s6], s20  }
0x9f: {  	_ =	swait.ge [sflag:s22], s20  }
0xa0: {  	s5 =	ssub.s32 $0x0, s20;
	[sflag:s22] =	ssyncset.done $0x0  }
0xa1: {  	[sflag:s22] =	ssyncadd.s32 s5;
	_ =	sdelay $0x1  }
0xa2: {  	s23 =	simm.s32 $0x1B8B  }
0xa3: {  	_ =	swait.ge [sflag:s23], $0x1  }
0xa4: {  	[sflag:s23] =	ssyncset.done $0x0  }
0xa5: {  	s25 =	simm.s32 $0x1B8E;
	s24 =	sld [smem:$0x3FFE];
	[sflag:s23] =	ssyncadd.s32 $0xFFFFFFFF  }
0xa6: {  	s26 =	simm.s32 $execute0_lowered;
	[smem:$0x3FD2] =	sst s25  }
0xa7: {  	s6 =	sshll.u32 s26, $0x1;
	_ =	strace $0x80000046;
	[dreg:$0x1] =	wrdreg $0xFFFFFFFF  }
0xa8: {  	s28 =	simm.s32 $_size_execute0_lowered;
	s4 =	sadd.s32 s4, s6;
	[dreg:$0x0] =	wrdreg $0x0  }
0xa9: {  	s6 =	sshll.u32 s28, $0x1;
	[dreg:$0x2] =	wrdreg s4  }
0xaa: {  	[dreg:$0x3] =	wrdreg s6  }
0xab: {  	[dreg:$0x4] =	wrdreg $0xC0  }
0xac: {  	_ =	task [dreg:s8], $0x5FFFF  }
0xad: {  	[dreg:$0x1] =	wrdreg $0xFFFFFFFF  }
0xae: {  	[dreg:$0x0] =	wrdreg $0x60  }
0xaf: {  	[dreg:$0x2] =	wrdreg s24  }
0xb0: {  	[dreg:$0x3] =	wrdreg s2  }
0xb1: {  	[dreg:$0x4] =	wrdreg s18  }
0xb2: {  	[dreg:$0x5] =	wrdreg $0x9  }
0xb3: {  	_ =	task.clear_ibuf [dreg:s8], $0x6FFFF;
	_ =	strace $0x90000046  }
0xb4: {  	s29 =	simm.s32 $0x9;
	_ =	strace $0x80000048  }
0xb5: {  	_ =	swait.ge [sflag:s29], $0x1  }
0xb6: {  	[sflag:s29] =	ssyncadd.s32 $0xFFFFFFFF  }
0xb7: {  	_ =	strace $0x90000048  }
0xb8: {  	_ =	sfence  }
0xb9: {  	s30 =	sld [smem:$0x0];
	_ =	sdelay $0x2  }
0xba: {  	s31 =	sshll.u32 s1, $0xD;
	s1 =	sshrl.u32 s1, $0x2  }
0xbb: {  	s3 =	sand.u32 $0x4000, s31;
	s1 =	sadd.s32 s1, s30  }
0xbc: {  	s0 =	sor.u32 s3, s0;
	s1 =	sshll.u32 s1, $0x11  }
0xbd: {  	s0 =	sor.u32 s1, s0  }
0xbe: {  	s0 =	sadd.s32 $0x8F2B, s0  }
0xbf: {  	[sflag:s0] =	ssyncadd.remote.s32 $0x1  }
0xc0: {  	_ =	sfence.sel $0xFFFF  }
0xc1: {  	[dreg:$0x0] =	wrdreg $0xFFFFFFFF;
	(pc) =	sbr.abs _section_cstart, $3  }
0xc2: {  	[dreg:$0x1] =	wrdreg $0xFFFFFFFF  }
0xc3: {  	_ =	task.clear_ibuf [dreg:s8], $0x2FFFF;
	_ =	strace $0x9FFFFFFF  }
0xc4: {  	(tm) =	ssettm $0x7FFFFFFF  }
0xc5: {  	_ =	shalt  }
tec
execute0_lowered:
.L_overlay_start_1:
0x0: {  	(tag) =	ssettag $0x1  }
0x1: {  	s3 =	rddreg [dreg:$0x0]  }
0x2: {  	s4 =	rddreg [dreg:$0x1]  }
0x3: {  	s6 =	rddreg [dreg:$0x2]  }
0x4: {  	s0 =	rddreg [dreg:$0x3];
	s2 =	simm.s32 $0x0;
	s5 =	srdreg.scid  }
0x5: {  	s1 =	stileid.u32;
	s13 =	simm.s32 $0x80;
	s14 =	simm.s32 $0x100  }
0x6: {  	s15 =	simm.s32 $0x180;
	s16 =	simm.s32 $0x1;
	s17 =	simm.s32 $0x200  }
0x7: {  	s18 =	simm.s32 $0x1200;
	s19 =	simm.s32 $0x2200;
	s20 =	simm.s32 $0x3200  }
0x8: {  	s21 =	simm.s32 $0x2;
	s22 =	simm.s32 $0x4200;
	s23 =	simm.s32 $0x5200  }
0x9: {  	s24 =	simm.s32 $0x6200;
	s25 =	simm.s32 $0x7200;
	s26 =	simm.s32 $0x3  }
0xa: {  	s28 =	simm.s32 $0x0;
	s5 =	sand.u32 $0x1, s5;
	s7 =	sshll.u32 s1, $0x1  }
0xb: {  	[smem:$0x7FF] =	sst s2;
	s3 =	sadd.s32 $0x188600, s3;
	s7 =	sor.u32 s5, s7  }
0xc: {  	_ =	strace $0x80000047;
	s5 =	ssub.s32 $0x2, s5;
	s8 =	sshll.u32 s7, $0x6  }
0xd: {  	s9 =	sshrl.u32 s5, $0x1;
	s7 =	sshll.u32 s7, $0xB;
	s4 =	sadd.s32 s4, s8  }
0xe: {  	s12 =	ssub.s32 s5, s9;
	s6 =	sadd.s32 s6, s7;
	s5 =	sadd.s32 $0x10, s4  }
0xf: {  	s7 =	sadd.s32 $0x20, s4;
	s8 =	sadd.s32 $0x30, s4;
	s9 =	sadd.s32 $0x200, s6  }
0x10: {  	s10 =	sadd.s32 $0x400, s6;
	s11 =	sadd.s32 $0x600, s6;
	s12 =	smax.u32 s12, $0x1  }
.LBB2_1:
0x11: {  	[tilespmem:s2], [sflag:$0x1] =	stream.linear.gather [hbm4b:s4+s2], $0x80, $0x38;
	[tilespmem:$0x8200] =	vst v63  }
0x12: {  	_ = 	snop  }
0x13: {  	[tilespmem:s13], [sflag:$0x1] =	stream.linear.gather [hbm4b:s5+s2], $0x80, $0x38;
	[tilespmem:$0x8200] =	vst v63  }
0x14: {  	_ = 	snop  }
0x15: {  	[tilespmem:s14], [sflag:$0x1] =	stream.linear.gather [hbm4b:s7+s2], $0x80, $0x38;
	[tilespmem:$0x8200] =	vst v63  }
0x16: {  	_ = 	snop  }
0x17: {  	[tilespmem:s15], [sflag:$0x1] =	stream.linear.gather [hbm4b:s8+s2], $0x80, $0x38;
	[tilespmem:$0x8200] =	vst v63  }
0x18: {  	_ =	swait.ge [sflag:s16], $0x80  }
0x19: {  	[sflag:s16] =	ssyncset.done $0x0  }
0x1a: {  	[sflag:s16] =	ssyncadd.s32 $0xFFFFFF80  }
0x1b: {  	_ =	swait.ge [sflag:s16], $0x80  }
0x1c: {  	[sflag:s16] =	ssyncset.done $0x0  }
0x1d: {  	[sflag:s16] =	ssyncadd.s32 $0xFFFFFF80  }
0x1e: {  	_ =	swait.ge [sflag:s16], $0x80  }
0x1f: {  	[sflag:s16] =	ssyncset.done $0x0  }
0x20: {  	[sflag:s16] =	ssyncadd.s32 $0xFFFFFF80  }
0x21: {  	_ =	swait.ge [sflag:s16], $0x80  }
0x22: {  	[sflag:s16] =	ssyncset.done $0x0  }
0x23: {  	[sflag:s16] =	ssyncadd.s32 $0xFFFFFF80  }
0x24: {  	[tilespmem:s17], [sflag:$0x2] =	stream.indirect.gather [hbm4b:s3+s13], $0x20, s2, s13, $0xb8;
	[tilespmem:$0x8200] =	vst v63  }
0x25: {  	_ = 	snop  }
0x26: {  	[tilespmem:s18], [sflag:$0x2] =	stream.indirect.gather [hbm4b:s3+s13], $0x20, s13, s13, $0xb8;
	[tilespmem:$0x8200] =	vst v63  }
0x27: {  	_ = 	snop  }
0x28: {  	[tilespmem:s19], [sflag:$0x2] =	stream.indirect.gather [hbm4b:s3+s13], $0x20, s14, s13, $0xb8;
	[tilespmem:$0x8200] =	vst v63  }
0x29: {  	_ = 	snop  }
0x2a: {  	[tilespmem:s20], [sflag:$0x2] =	stream.indirect.gather [hbm4b:s3+s13], $0x20, s15, s13, $0xb8;
	[tilespmem:$0x8200] =	vst v63  }
0x2b: {  	_ =	swait.ge [sflag:s21], $0x1000  }
0x2c: {  	[sflag:s21] =	ssyncset.done $0x0  }
0x2d: {  	s29 =	simm.s32 $0x0;
	[sflag:s21] =	ssyncadd.s32 $0xFFFFF000  }
0x2e: {  	v3 =	vld [tilespmem:s29+$0x270]  }
0x2f: {  	v4 =	vld [tilespmem:s29+$0x200]  }
0x30: {  	v5 =	vld [tilespmem:s29+$0x210]  }
0x31: {  	v2 =	vld [tilespmem:s29+$0x220]  }
0x32: {  	v0 =	vld [tilespmem:s29+$0x230]  }
0x33: {  	v1 =	vld [tilespmem:s29+$0x240];
	[tilespmem:s29+$0x4270] =	vst v3  }
0x34: {  	[tilespmem:s29+$0x4200] =	vst v4;
	v3 =	vld [tilespmem:s29+$0x250]  }
0x35: {  	s30 =	simm.s32 $0x80;
	s31 =	simm.s32 $0x400;
	[tilespmem:s29+$0x4210] =	vst v5;
	v4 =	vld [tilespmem:s29+$0x260]  }
.LBB2_2:
0x36: {  	p0 =	sne.s32 s31, $0x3E00;
	v5 =	vld [tilespmem:s30+$0x270];
	[tilespmem:s29+$0x4220] =	vst v2  }
0x37: {  	v6 =	vld [tilespmem:s30+$0x200];
	[tilespmem:s29+$0x4230] =	vst v0  }
0x38: {  	v7 =	vld [tilespmem:s30+$0x210];
	[tilespmem:s29+$0x4240] =	vst v1  }
.Ltmp0:
0x39: {  	v2 =	vld [tilespmem:s30+$0x220];
	[tilespmem:s29+$0x4250] =	vst v3;
	(pc) =	sbr.rel @p0 .LBB2_2-.Ltmp0, $4  }
0x3a: {  	v0 =	vld [tilespmem:s30+$0x230];
	[tilespmem:s29+$0x4260] =	vst v4;
	s29 =	smov.u32 s30  }
0x3b: {  	v1 =	vld [tilespmem:s29+$0x240];
	[tilespmem:s29+$0x4270] =	vst v5  }
0x3c: {  	[tilespmem:s29+$0x4200] =	vst v6;
	v3 =	vld [tilespmem:s29+$0x250]  }
0x3d: {  	s30 =	sshra.s32 s31, $0x2;
	s31 =	sadd.s32 $0x200, s31;
	[tilespmem:s29+$0x4210] =	vst v7;
	v4 =	vld [tilespmem:s29+$0x260]  }
0x3e: {  	v5 =	vld [tilespmem:s30+$0x270];
	[tilespmem:s29+$0x4220] =	vst v2  }
0x3f: {  	v2 =	vld [tilespmem:s30+$0x200];
	[tilespmem:s29+$0x4230] =	vst v0  }
0x40: {  	v0 =	vld [tilespmem:s30+$0x210];
	[tilespmem:s29+$0x4240] =	vst v1  }
0x41: {  	v1 =	vld [tilespmem:s30+$0x220];
	[tilespmem:s29+$0x4250] =	vst v3  }
0x42: {  	v3 =	vld [tilespmem:s30+$0x230];
	[tilespmem:s29+$0x4260] =	vst v4  }
0x43: {  	v4 =	vld [tilespmem:s30+$0x240];
	[tilespmem:s30+$0x4270] =	vst v5  }
0x44: {  	[tilespmem:s30+$0x4200] =	vst v2;
	v2 =	vld [tilespmem:s30+$0x250]  }
0x45: {  	[tilespmem:s30+$0x4210] =	vst v0;
	v0 =	vld [tilespmem:s30+$0x260]  }
0x46: {  	[tilespmem:s30+$0x4220] =	vst v1  }
0x47: {  	[tilespmem:s30+$0x4230] =	vst v3  }
0x48: {  	[tilespmem:s30+$0x4240] =	vst v4  }
0x49: {  	[tilespmem:s30+$0x4250] =	vst v2  }
0x4a: {  	s29 =	simm.s32 $0x0;
	[tilespmem:s30+$0x4260] =	vst v0  }
0x4b: {  	[hbm4b:s6+s29] =	stream.linear.scatter [tilespmem:s22], [sflag:$0x3], $0x1000, $0x38;
	[tilespmem:$0x8200] =	vst v63  }
0x4c: {  	_ =	swait.ge [sflag:s21], $0x1000  }
0x4d: {  	[sflag:s21] =	ssyncset.done $0x0  }
0x4e: {  	s29 =	simm.s32 $0x0;
	[sflag:s21] =	ssyncadd.s32 $0xFFFFF000  }
0x4f: {  	v3 =	vld [tilespmem:s29+$0x1270]  }
0x50: {  	v4 =	vld [tilespmem:s29+$0x1200]  }
0x51: {  	v5 =	vld [tilespmem:s29+$0x1210]  }
0x52: {  	v2 =	vld [tilespmem:s29+$0x1220]  }
0x53: {  	v0 =	vld [tilespmem:s29+$0x1230]  }
0x54: {  	v1 =	vld [tilespmem:s29+$0x1240];
	[tilespmem:s29+$0x5270] =	vst v3  }
0x55: {  	[tilespmem:s29+$0x5200] =	vst v4;
	v3 =	vld [tilespmem:s29+$0x1250]  }
0x56: {  	s31 =	simm.s32 $0x400;
	s30 =	simm.s32 $0x80;
	[tilespmem:s29+$0x5210] =	vst v5;
	v4 =	vld [tilespmem:s29+$0x1260]  }
.LBB2_4:
0x57: {  	p0 =	sne.s32 s31, $0x3E00;
	v5 =	vld [tilespmem:s30+$0x1270];
	[tilespmem:s29+$0x5220] =	vst v2  }
0x58: {  	v6 =	vld [tilespmem:s30+$0x1200];
	[tilespmem:s29+$0x5230] =	vst v0  }
0x59: {  	v7 =	vld [tilespmem:s30+$0x1210];
	[tilespmem:s29+$0x5240] =	vst v1  }
.Ltmp1:
0x5a: {  	v2 =	vld [tilespmem:s30+$0x1220];
	[tilespmem:s29+$0x5250] =	vst v3;
	(pc) =	sbr.rel @p0 .LBB2_4-.Ltmp1, $4  }
0x5b: {  	v0 =	vld [tilespmem:s30+$0x1230];
	[tilespmem:s29+$0x5260] =	vst v4;
	s29 =	smov.u32 s30  }
0x5c: {  	v1 =	vld [tilespmem:s29+$0x1240];
	[tilespmem:s29+$0x5270] =	vst v5  }
0x5d: {  	[tilespmem:s29+$0x5200] =	vst v6;
	v3 =	vld [tilespmem:s29+$0x1250]  }
0x5e: {  	s30 =	sshra.s32 s31, $0x2;
	s31 =	sadd.s32 $0x200, s31;
	[tilespmem:s29+$0x5210] =	vst v7;
	v4 =	vld [tilespmem:s29+$0x1260]  }
0x5f: {  	v5 =	vld [tilespmem:s30+$0x1270];
	[tilespmem:s29+$0x5220] =	vst v2  }
0x60: {  	v2 =	vld [tilespmem:s30+$0x1200];
	[tilespmem:s29+$0x5230] =	vst v0  }
0x61: {  	v0 =	vld [tilespmem:s30+$0x1210];
	[tilespmem:s29+$0x5240] =	vst v1  }
0x62: {  	v1 =	vld [tilespmem:s30+$0x1220];
	[tilespmem:s29+$0x5250] =	vst v3  }
0x63: {  	v3 =	vld [tilespmem:s30+$0x1230];
	[tilespmem:s29+$0x5260] =	vst v4  }
0x64: {  	v4 =	vld [tilespmem:s30+$0x1240];
	[tilespmem:s30+$0x5270] =	vst v5  }
0x65: {  	[tilespmem:s30+$0x5200] =	vst v2;
	v2 =	vld [tilespmem:s30+$0x1250]  }
0x66: {  	[tilespmem:s30+$0x5210] =	vst v0;
	v0 =	vld [tilespmem:s30+$0x1260]  }
0x67: {  	[tilespmem:s30+$0x5220] =	vst v1  }
0x68: {  	[tilespmem:s30+$0x5230] =	vst v3  }
0x69: {  	[tilespmem:s30+$0x5240] =	vst v4  }
0x6a: {  	[tilespmem:s30+$0x5250] =	vst v2  }
0x6b: {  	s29 =	simm.s32 $0x0;
	[tilespmem:s30+$0x5260] =	vst v0  }
0x6c: {  	[hbm4b:s9+s29] =	stream.linear.scatter [tilespmem:s23], [sflag:$0x3], $0x1000, $0x38;
	[tilespmem:$0x8200] =	vst v63  }
0x6d: {  	_ =	swait.ge [sflag:s21], $0x1000  }
0x6e: {  	[sflag:s21] =	ssyncset.done $0x0  }
0x6f: {  	s29 =	simm.s32 $0x0;
	[sflag:s21] =	ssyncadd.s32 $0xFFFFF000  }
0x70: {  	v3 =	vld [tilespmem:s29+$0x2270]  }
0x71: {  	v4 =	vld [tilespmem:s29+$0x2200]  }
0x72: {  	v5 =	vld [tilespmem:s29+$0x2210]  }
0x73: {  	v2 =	vld [tilespmem:s29+$0x2220]  }
0x74: {  	v0 =	vld [tilespmem:s29+$0x2230]  }
0x75: {  	v1 =	vld [tilespmem:s29+$0x2240];
	[tilespmem:s29+$0x6270] =	vst v3  }
0x76: {  	[tilespmem:s29+$0x6200] =	vst v4;
	v3 =	vld [tilespmem:s29+$0x2250]  }
0x77: {  	s31 =	simm.s32 $0x400;
	s30 =	simm.s32 $0x80;
	[tilespmem:s29+$0x6210] =	vst v5;
	v4 =	vld [tilespmem:s29+$0x2260]  }
.LBB2_6:
0x78: {  	p0 =	sne.s32 s31, $0x3E00;
	v5 =	vld [tilespmem:s30+$0x2270];
	[tilespmem:s29+$0x6220] =	vst v2  }
0x79: {  	v6 =	vld [tilespmem:s30+$0x2200];
	[tilespmem:s29+$0x6230] =	vst v0  }
0x7a: {  	v7 =	vld [tilespmem:s30+$0x2210];
	[tilespmem:s29+$0x6240] =	vst v1  }
.Ltmp2:
0x7b: {  	v2 =	vld [tilespmem:s30+$0x2220];
	[tilespmem:s29+$0x6250] =	vst v3;
	(pc) =	sbr.rel @p0 .LBB2_6-.Ltmp2, $4  }
0x7c: {  	v0 =	vld [tilespmem:s30+$0x2230];
	[tilespmem:s29+$0x6260] =	vst v4;
	s29 =	smov.u32 s30  }
0x7d: {  	v1 =	vld [tilespmem:s29+$0x2240];
	[tilespmem:s29+$0x6270] =	vst v5  }
0x7e: {  	[tilespmem:s29+$0x6200] =	vst v6;
	v3 =	vld [tilespmem:s29+$0x2250]  }
0x7f: {  	s30 =	sshra.s32 s31, $0x2;
	s31 =	sadd.s32 $0x200, s31;
	[tilespmem:s29+$0x6210] =	vst v7;
	v4 =	vld [tilespmem:s29+$0x2260]  }
0x80: {  	v5 =	vld [tilespmem:s30+$0x2270];
	[tilespmem:s29+$0x6220] =	vst v2  }
0x81: {  	v2 =	vld [tilespmem:s30+$0x2200];
	[tilespmem:s29+$0x6230] =	vst v0  }
0x82: {  	v0 =	vld [tilespmem:s30+$0x2210];
	[tilespmem:s29+$0x6240] =	vst v1  }
0x83: {  	v1 =	vld [tilespmem:s30+$0x2220];
	[tilespmem:s29+$0x6250] =	vst v3  }
0x84: {  	v3 =	vld [tilespmem:s30+$0x2230];
	[tilespmem:s29+$0x6260] =	vst v4  }
0x85: {  	v4 =	vld [tilespmem:s30+$0x2240];
	[tilespmem:s30+$0x6270] =	vst v5  }
0x86: {  	[tilespmem:s30+$0x6200] =	vst v2;
	v2 =	vld [tilespmem:s30+$0x2250]  }
0x87: {  	[tilespmem:s30+$0x6210] =	vst v0;
	v0 =	vld [tilespmem:s30+$0x2260]  }
0x88: {  	[tilespmem:s30+$0x6220] =	vst v1  }
0x89: {  	[tilespmem:s30+$0x6230] =	vst v3  }
0x8a: {  	[tilespmem:s30+$0x6240] =	vst v4  }
0x8b: {  	[tilespmem:s30+$0x6250] =	vst v2  }
0x8c: {  	s29 =	simm.s32 $0x0;
	[tilespmem:s30+$0x6260] =	vst v0  }
0x8d: {  	[hbm4b:s10+s29] =	stream.linear.scatter [tilespmem:s24], [sflag:$0x3], $0x1000, $0x38;
	[tilespmem:$0x8200] =	vst v63  }
0x8e: {  	_ =	swait.ge [sflag:s21], $0x1000  }
0x8f: {  	[sflag:s21] =	ssyncset.done $0x0  }
0x90: {  	s29 =	simm.s32 $0x0;
	[sflag:s21] =	ssyncadd.s32 $0xFFFFF000  }
0x91: {  	v3 =	vld [tilespmem:s29+$0x3270]  }
0x92: {  	v4 =	vld [tilespmem:s29+$0x3200]  }
0x93: {  	v5 =	vld [tilespmem:s29+$0x3210]  }
0x94: {  	v2 =	vld [tilespmem:s29+$0x3220]  }
0x95: {  	v0 =	vld [tilespmem:s29+$0x3230]  }
0x96: {  	v1 =	vld [tilespmem:s29+$0x3240];
	[tilespmem:s29+$0x7270] =	vst v3  }
0x97: {  	[tilespmem:s29+$0x7200] =	vst v4;
	v3 =	vld [tilespmem:s29+$0x3250]  }
0x98: {  	s31 =	simm.s32 $0x400;
	s30 =	simm.s32 $0x80;
	[tilespmem:s29+$0x7210] =	vst v5;
	v4 =	vld [tilespmem:s29+$0x3260]  }
.LBB2_8:
0x99: {  	p0 =	sne.s32 s31, $0x3E00;
	v5 =	vld [tilespmem:s30+$0x3270];
	[tilespmem:s29+$0x7220] =	vst v2  }
0x9a: {  	v6 =	vld [tilespmem:s30+$0x3200];
	[tilespmem:s29+$0x7230] =	vst v0  }
0x9b: {  	v7 =	vld [tilespmem:s30+$0x3210];
	[tilespmem:s29+$0x7240] =	vst v1  }
.Ltmp3:
0x9c: {  	v2 =	vld [tilespmem:s30+$0x3220];
	[tilespmem:s29+$0x7250] =	vst v3;
	(pc) =	sbr.rel @p0 .LBB2_8-.Ltmp3, $4  }
0x9d: {  	v0 =	vld [tilespmem:s30+$0x3230];
	[tilespmem:s29+$0x7260] =	vst v4;
	s29 =	smov.u32 s30  }
0x9e: {  	v1 =	vld [tilespmem:s29+$0x3240];
	[tilespmem:s29+$0x7270] =	vst v5  }
0x9f: {  	[tilespmem:s29+$0x7200] =	vst v6;
	v3 =	vld [tilespmem:s29+$0x3250]  }
0xa0: {  	s30 =	sshra.s32 s31, $0x2;
	s31 =	sadd.s32 $0x200, s31;
	[tilespmem:s29+$0x7210] =	vst v7;
	v4 =	vld [tilespmem:s29+$0x3260]  }
0xa1: {  	v5 =	vld [tilespmem:s30+$0x3270];
	[tilespmem:s29+$0x7220] =	vst v2  }
0xa2: {  	v2 =	vld [tilespmem:s30+$0x3200];
	[tilespmem:s29+$0x7230] =	vst v0  }
0xa3: {  	v0 =	vld [tilespmem:s30+$0x3210];
	[tilespmem:s29+$0x7240] =	vst v1  }
0xa4: {  	v1 =	vld [tilespmem:s30+$0x3220];
	[tilespmem:s29+$0x7250] =	vst v3  }
0xa5: {  	v3 =	vld [tilespmem:s30+$0x3230];
	[tilespmem:s29+$0x7260] =	vst v4  }
0xa6: {  	v4 =	vld [tilespmem:s30+$0x3240];
	[tilespmem:s30+$0x7270] =	vst v5  }
0xa7: {  	v62 =	vld [tilespmem:s30+$0x3250];
	[tilespmem:s30+$0x7200] =	vst v2  }
0xa8: {  	v63 =	vld [tilespmem:s30+$0x3260];
	[tilespmem:s30+$0x7210] =	vst v0  }
0xa9: {  	[tilespmem:s30+$0x7220] =	vst v1  }
0xaa: {  	[tilespmem:s30+$0x7230] =	vst v3  }
0xab: {  	[tilespmem:s30+$0x7240] =	vst v4  }
0xac: {  	[tilespmem:s30+$0x7250] =	vst v62  }
0xad: {  	[tilespmem:s30+$0x7260] =	vst v63  }
0xae: {  	[hbm4b:s11+s2] =	stream.linear.scatter [tilespmem:s25], [sflag:$0x3], $0x1000, $0x38;
	[tilespmem:$0x8200] =	vst v63  }
0xaf: {  	_ =	swait.ge [sflag:s26], $0x1000  }
0xb0: {  	[sflag:s26] =	ssyncset.done $0x0  }
0xb1: {  	[sflag:s26] =	ssyncadd.s32 $0xFFFFF000  }
0xb2: {  	_ =	swait.ge [sflag:s26], $0x1000  }
0xb3: {  	[sflag:s26] =	ssyncset.done $0x0  }
0xb4: {  	s28 =	sadd.s32 $0x1, s28;
	[sflag:s26] =	ssyncadd.s32 $0xFFFFF000  }
0xb5: {  	p0 =	sne.s32 s28, s12;
	_ =	swait.ge [sflag:s26], $0x1000  }
.Ltmp4:
0xb6: {  	[sflag:s26] =	ssyncset.done $0x0;
	(pc) =	sbr.rel @p0 .LBB2_1-.Ltmp4, $4  }
0xb7: {  	[sflag:s26] =	ssyncadd.s32 $0xFFFFF000  }
0xb8: {  	_ =	swait.ge [sflag:s26], $0x1000  }
0xb9: {  	[sflag:s26] =	ssyncset.done $0x0  }
0xba: {  	[sflag:s26] =	ssyncadd.s32 $0xFFFFF000  }
0xbb: {  	_ =	sfence.sel $0x180000  }
0xbc: {  	[bflag:$0x0] =	sbarrier.arrive $0xFFFF  }
0xbd: {  	p0 =	sne.s32 s1, $0x0;
	_ =	strace $0x90000047  }
0xbe: {  	s0 =	sadd.s32 @!p0 $0x100000, s0;
	[bflag:$0x2] =	sbarrier.arrive $0xFFFF  }
0xbf: {  	[sflag:s0] =	ssyncadd.tile.s32 @!p0 $0x1;
	_ =	shalt  }
.Lfunc_end2:
_tile_overlayer_lowered:
.L_overlay_start_2:
0xc0: {  	(tag) =	ssettag $0x2  }
0xc1: {  	s0 =	rddreg [dreg:$0x0];
	s2 =	stileid.u32  }
0xc2: {  	s1 =	rddreg [dreg:$0x1];
	p0 =	sne.s32 s2, $0x0  }
0xc3: {  	s3 =	rddreg [dreg:$0x2];
	[bflag:$0x3] =	sbarrier.arrive $0xFFFF;
	s2 =	simm.s32 @!p0 $0x1C04  }
0xc4: {  	[timem:s3], [sflag:s2] =	dma.local @!p0 [hbm:s0], s1  }
0xc5: {  	s0 =	simm.s32 @!p0 $0x4  }
0xc6: {  	_ =	swait.ge @!p0 [sflag:s0], s1  }
0xc7: {  	s1 =	ssub.s32 @!p0 $0x0, s1;
	[sflag:s0] =	ssyncset.done @!p0 $0x0  }
0xc8: {  	[sflag:s0] =	ssyncadd.s32 @!p0 s1  }
0xc9: {  	[bflag:$0x3] =	sbarrier.arrive $0xFFFF  }
0xca: {  	_ =	shalt  }

</sc_bundles>
